<compile_context>
chip_gen: v7x
topology: tpu7x:2x2x1
jax: 0.10.2.dev20260603
libtpu: 0.0.44.dev20260713+nightly
codegen_flags: <defaults>
</compile_context>

<pallas_src>
import jax
import jax.numpy as jnp
from jax import lax
from jax.experimental import pallas as pl
from jax.experimental.pallas import tpu as pltpu
from jax.experimental.pallas import tpu_sc as plsc

_INPUT_DIM = 768
_NUM_EXPERTS = 8
_TOPK = 2
_LOAD_BALANCING_COEF = 0.1

_N_TOKENS = 32768
_BLK = 4096
_NC, _NS, _LANES = 2, 16, 16
_NTILES = _NC * _NS
_TPT = _N_TOKENS // _NTILES
_GROUPS = _TPT // _LANES


def _logits_body(x_ref, w_ref, out_ref):
    out_ref[...] = lax.dot_general(
        w_ref[...], x_ref[...], (((1,), (1,)), ((), ())),
        preferred_element_type=jnp.float32)


def _logits_t(x, w):
    grid = (_N_TOKENS // _BLK,)
    return pl.pallas_call(
        _logits_body,
        grid=grid,
        in_specs=[
            pl.BlockSpec((_BLK, _INPUT_DIM), lambda i: (i, 0)),
            pl.BlockSpec((_NUM_EXPERTS, _INPUT_DIM), lambda i: (0, 0)),
        ],
        out_specs=pl.BlockSpec((_NUM_EXPERTS, _BLK), lambda i: (0, i)),
        out_shape=jax.ShapeDtypeStruct((_NUM_EXPERTS, _N_TOKENS), jnp.float32),
        compiler_params=pltpu.CompilerParams(
            dimension_semantics=("arbitrary",)),
    )(x, w)


def _route_body(lg_hbm, pq_hbm, idx_hbm, parts_hbm,
                lg_v, p1_v, p2_v, i1_v, i2_v, agg_v, cnt_v):
    wid = lax.axis_index("s") * _NC + lax.axis_index("c")
    base = wid * _TPT
    pltpu.sync_copy(lg_hbm.at[:, pl.ds(base, _TPT)], lg_v)

    zero_f = jnp.zeros((_LANES,), jnp.float32)
    one_f = jnp.ones((_LANES,), jnp.float32)

    def group(g, carry):
        aggs, cnts = carry
        off = g * _LANES
        ls = [lg_v[e, pl.ds(off, _LANES)] for e in range(_NUM_EXPERTS)]
        m = ls[0]
        for e in range(1, _NUM_EXPERTS):
            m = jnp.maximum(m, ls[e])
        es = [jnp.exp(l - m) for l in ls]
        s = es[0]
        for e in range(1, _NUM_EXPERTS):
            s = s + es[e]
        r = one_f / s
        ps = [e_ * r for e_ in es]

        m1 = ps[0]
        i1 = jnp.zeros((_LANES,), jnp.int32)
        m2 = jnp.full((_LANES,), -1.0, jnp.float32)
        i2 = jnp.zeros((_LANES,), jnp.int32)
        for e in range(1, _NUM_EXPERTS):
            p = ps[e]
            ei = jnp.full((_LANES,), e, jnp.int32)
            gt1 = p > m1
            gt2 = p > m2
            i2 = jnp.where(gt1, i1, jnp.where(gt2, ei, i2))
            m2 = jnp.where(gt1, m1, jnp.where(gt2, p, m2))
            i1 = jnp.where(gt1, ei, i1)
            m1 = jnp.where(gt1, p, m1)

        p1_v[pl.ds(off, _LANES)] = m1
        p2_v[pl.ds(off, _LANES)] = m2
        i1_v[pl.ds(off, _LANES)] = i1
        i2_v[pl.ds(off, _LANES)] = i2

        new_aggs = tuple(a + p for a, p in zip(aggs, ps))
        new_cnts = tuple(
            c + jnp.where(i1 == e, one_f, zero_f)
            + jnp.where(i2 == e, one_f, zero_f)
            for e, c in enumerate(cnts))
        return new_aggs, new_cnts

    init = (tuple(zero_f for _ in range(_NUM_EXPERTS)),
            tuple(zero_f for _ in range(_NUM_EXPERTS)))
    aggs, cnts = lax.fori_loop(0, _GROUPS, group, init)

    for e in range(_NUM_EXPERTS):
        agg_v[pl.ds(e * _LANES, _LANES)] = aggs[e]
        cnt_v[pl.ds(e * _LANES, _LANES)] = cnts[e]

    pltpu.sync_copy(p1_v, pq_hbm.at[0, pl.ds(base, _TPT)])
    pltpu.sync_copy(p2_v, pq_hbm.at[1, pl.ds(base, _TPT)])
    pltpu.sync_copy(i1_v, idx_hbm.at[0, pl.ds(base, _TPT)])
    pltpu.sync_copy(i2_v, idx_hbm.at[1, pl.ds(base, _TPT)])
    pltpu.sync_copy(agg_v, parts_hbm.at[0, wid])
    pltpu.sync_copy(cnt_v, parts_hbm.at[1, wid])


_route_sc = pl.kernel(
    _route_body,
    out_type=(
        jax.ShapeDtypeStruct((2, _N_TOKENS), jnp.float32),
        jax.ShapeDtypeStruct((2, _N_TOKENS), jnp.int32),
        jax.ShapeDtypeStruct((2, _NTILES, _NUM_EXPERTS * _LANES),
                             jnp.float32),
    ),
    mesh=plsc.VectorSubcoreMesh(core_axis_name="c", subcore_axis_name="s"),
    scratch_types=[
        pltpu.VMEM((_NUM_EXPERTS, _TPT), jnp.float32),
        pltpu.VMEM((_TPT,), jnp.float32),
        pltpu.VMEM((_TPT,), jnp.float32),
        pltpu.VMEM((_TPT,), jnp.int32),
        pltpu.VMEM((_TPT,), jnp.int32),
        pltpu.VMEM((_NUM_EXPERTS * _LANES,), jnp.float32),
        pltpu.VMEM((_NUM_EXPERTS * _LANES,), jnp.float32),
    ],
)


def _loss_body(parts_ref, loss_ref):
    agg = jnp.sum(parts_ref[0], axis=0, keepdims=True)
    cnt = jnp.sum(parts_ref[1], axis=0, keepdims=True)
    n = _NUM_EXPERTS * _LANES
    row = lax.broadcasted_iota(jnp.int32, (n, n), 0) // _LANES
    col = lax.broadcasted_iota(jnp.int32, (n, n), 1) // _LANES
    seg = (row == col).astype(jnp.float32)
    segcnt = lax.dot_general(cnt, seg, (((1,), (0,)), ((), ())),
                             preferred_element_type=jnp.float32)
    scale = (_NUM_EXPERTS * _LOAD_BALANCING_COEF
             / (_N_TOKENS * _N_TOKENS * _TOPK))
    loss_ref[...] = (jnp.sum(agg * segcnt) * scale).reshape(1, 1)


def _loss(parts):
    n = _NUM_EXPERTS * _LANES
    spec = pl.BlockSpec((2, _NTILES, n), lambda: (0, 0, 0))
    return pl.pallas_call(
        _loss_body,
        in_specs=[spec],
        out_specs=pl.BlockSpec((1, 1), lambda: (0, 0)),
        out_shape=jax.ShapeDtypeStruct((1, 1), jnp.float32),
    )(parts)


@jax.jit
def _router(x, w):
    lg = _logits_t(x, w)
    pq, idx, parts = _route_sc(lg)
    loss = _loss(parts)
    top_probs = pq.T
    top_indices = idx.T
    return top_probs, top_indices, loss[0, 0]


def kernel(input, W):
    x = input.reshape(-1, _INPUT_DIM)
    return _router(x, W)

# --- scband reference (transcript-rebuilt; emitter-appended) ---
"""Pipeline reference for scband-top-krouter-87402584474273 (READ-ONLY COPY).

The authoritative reference and input builder live on the scoring server;
editing this copy changes nothing except your own understanding.
"""

import jax, jax.numpy as jnp
import numpy as np

INPUT_DIM = 768
NUM_EXPERTS = 8
TOPK = 2
LOAD_BALANCING_COEF = 0.1


def _xavier_uniform(key, shape):
    fan_out, fan_in = shape
    limit = float(np.sqrt(6.0 / (fan_in + fan_out)))
    return jax.random.uniform(key, shape, minval=-limit, maxval=limit, dtype=jnp.float32)


def setup_inputs(seed: int = 0) -> dict:
    key = jax.random.key(seed)
    k_in, k_w = jax.random.split(key)
    inp = jax.random.normal(k_in, (32768, INPUT_DIM), dtype=jnp.float32)
    W = _xavier_uniform(k_w, (NUM_EXPERTS, INPUT_DIM))
    return {"input": inp, "W": W}


def reference(input, W):
    # gating: linear(input, weight) -> logits [num_tokens, num_experts]
    logits = jnp.dot(input, W.T)
    logits = logits.reshape(-1, NUM_EXPERTS)
    num_tokens = logits.shape[0]
    num_experts = logits.shape[1]
    # routing with aux load-balancing loss
    probs = jax.nn.softmax(logits, axis=-1)
    top_probs, top_indices = jax.lax.top_k(probs, TOPK)
    tokens_per_expert = jnp.bincount(top_indices.reshape(-1), length=num_experts)
    aggregated_probs_per_expert = probs.sum(axis=0)
    aux_loss = jnp.sum(aggregated_probs_per_expert * tokens_per_expert) * (
        num_experts * LOAD_BALANCING_COEF / (num_tokens * num_tokens * TOPK)
    )
    return (top_probs, top_indices, aux_loss)

if __name__ == "__main__":
    import jax
    _d = setup_inputs()
    print(jax.jit(kernel)(*tuple(_d.values())))

</pallas_src>

<mosaic_0001>
#map = affine_map<(d0, d1) -> (0, 0)>
#map1 = affine_map<(d0, d1) -> (0, 0, 0)>
module attributes {stable_mosaic.version = 14 : i64} {
  func.func @_route_body(%arg0: i32, %arg1: i32, %arg2: memref<8x32768xf32, #tpu.memory_space<hbm>>, %arg3: memref<2x32768xf32, #tpu.memory_space<hbm>>, %arg4: memref<2x32768xi32, #tpu.memory_space<hbm>>, %arg5: memref<2x32x128xf32, #tpu.memory_space<hbm>>, %arg6: memref<8x1024xf32, #tpu.memory_space<vmem>>, %arg7: memref<1024xf32, #tpu.memory_space<vmem>>, %arg8: memref<1024xf32, #tpu.memory_space<vmem>>, %arg9: memref<1024xi32, #tpu.memory_space<vmem>>, %arg10: memref<1024xi32, #tpu.memory_space<vmem>>, %arg11: memref<128xf32, #tpu.memory_space<vmem>>, %arg12: memref<128xf32, #tpu.memory_space<vmem>>) attributes {dimension_semantics = [#tpu.dimension_semantics<core_parallel>, #tpu.dimension_semantics<subcore_parallel>], iteration_bounds = array<i64: 2, 16>, scalar_prefetch = 0 : i64, scratch_operands = 7 : i64, tpu.core_type = #tpu.core_type<sc_vector_subcore>, window_params = [{transform_indices = #map}, {transform_indices = #map}, {transform_indices = #map}, {transform_indices = #map1}]} {
    %mul3A = arith.constant 2 : i32
    %mul3A_0 = arith.muli %arg1, %mul3A : i32
    %add3A = arith.addi %mul3A_0, %arg0 : i32
    %mul3A_1 = arith.constant 1024 : i32
    %mul3A_2 = arith.muli %add3A, %mul3A_1 : i32
    "tpu.region"() ({
      %run_scoped3A_79 = tpu.sem_alloc : memref<!tpu.dma_semaphore, #tpu.memory_space<semaphore_mem>>
      %dma_start3A = arith.constant 0 : i32
      %dma_start3A_80 = tpu.memref_slice %arg2[%dma_start3A, %mul3A_2] : memref<8x32768xf32, #tpu.memory_space<hbm>> -> memref<8x1024xf32, #tpu.memory_space<hbm>>
      %dma_start3A_81 = arith.constant 0 : i32
      %dma_start3A_82 = tpu.memref_slice %arg2[%dma_start3A_81, %mul3A_2] : memref<8x32768xf32, #tpu.memory_space<hbm>> -> memref<8x1024xf32, #tpu.memory_space<hbm>>
      tpu.enqueue_dma source(%dma_start3A_82 : memref<8x1024xf32, #tpu.memory_space<hbm>>) target(%arg6 : memref<8x1024xf32, #tpu.memory_space<vmem>>) target_semaphore(%run_scoped3A_79 : memref<!tpu.dma_semaphore, #tpu.memory_space<semaphore_mem>>)
      %dma_wait3A = arith.constant 0 : i32
      %dma_wait3A_83 = tpu.memref_slice %arg2[%dma_wait3A, %mul3A_2] : memref<8x32768xf32, #tpu.memory_space<hbm>> -> memref<8x1024xf32, #tpu.memory_space<hbm>>
      %dma_wait3A_84 = arith.constant 0 : i32
      %dma_wait3A_85 = tpu.memref_slice %arg2[%dma_wait3A_84, %mul3A_2] : memref<8x32768xf32, #tpu.memory_space<hbm>> -> memref<8x1024xf32, #tpu.memory_space<hbm>>
      tpu.wait_dma2 semaphore(%run_scoped3A_79 : memref<!tpu.dma_semaphore, #tpu.memory_space<semaphore_mem>>) src(%dma_wait3A_85 : memref<8x1024xf32, #tpu.memory_space<hbm>>) dst(%arg6 : memref<8x1024xf32, #tpu.memory_space<vmem>>)
      tpu.yield
    }) : () -> ()
    %broadcast_in_dim3A = arith.constant 0.000000e+00 : f32
    %broadcast_in_dim3A_3 = vector.broadcast %broadcast_in_dim3A : f32 to vector<16xf32>
    %broadcast_in_dim3A_4 = arith.constant 1.000000e+00 : f32
    %broadcast_in_dim3A_5 = vector.broadcast %broadcast_in_dim3A_4 : f32 to vector<16xf32>
    %scan3A = arith.constant 0 : i32
    %scan3A_6 = arith.constant 64 : i32
    %scan3A_7 = arith.addi %scan3A, %scan3A_6 : i32
    %scan3A_8 = arith.constant 1 : i32
    %scan3A_9:16 = scf.for %scan3A_79 = %scan3A to %scan3A_7 step %scan3A_8 iter_args(%scan3A_80 = %broadcast_in_dim3A_3, %scan3A_81 = %broadcast_in_dim3A_3, %scan3A_82 = %broadcast_in_dim3A_3, %scan3A_83 = %broadcast_in_dim3A_3, %scan3A_84 = %broadcast_in_dim3A_3, %scan3A_85 = %broadcast_in_dim3A_3, %scan3A_86 = %broadcast_in_dim3A_3, %scan3A_87 = %broadcast_in_dim3A_3, %scan3A_88 = %broadcast_in_dim3A_3, %scan3A_89 = %broadcast_in_dim3A_3, %scan3A_90 = %broadcast_in_dim3A_3, %scan3A_91 = %broadcast_in_dim3A_3, %scan3A_92 = %broadcast_in_dim3A_3, %scan3A_93 = %broadcast_in_dim3A_3, %scan3A_94 = %broadcast_in_dim3A_3, %scan3A_95 = %broadcast_in_dim3A_3) -> (vector<16xf32>, vector<16xf32>, vector<16xf32>, vector<16xf32>, vector<16xf32>, vector<16xf32>, vector<16xf32>, vector<16xf32>, vector<16xf32>, vector<16xf32>, vector<16xf32>, vector<16xf32>, vector<16xf32>, vector<16xf32>, vector<16xf32>, vector<16xf32>)  : i32 {
      %mul3A_96 = arith.constant 16 : i32
      %mul3A_97 = arith.muli %scan3A_79, %mul3A_96 : i32
      %get3A = arith.constant 0 : i32
      %get3A_98 = arith.index_cast %get3A : i32 to index
      %get3A_99 = arith.index_cast %mul3A_97 : i32 to index
      %get3A_100 = tpu.vector_load %arg6[%get3A_98, %get3A_99] {strides = array<i32>} : memref<8x1024xf32, #tpu.memory_space<vmem>>, vector<1x16xf32>,
      %get3A_101 = vector.shape_cast %get3A_100 : vector<1x16xf32> to vector<16xf32>
      %get3A_102 = arith.constant 1 : i32
      %get3A_103 = arith.index_cast %get3A_102 : i32 to index
      %get3A_104 = arith.index_cast %mul3A_97 : i32 to index
      %get3A_105 = tpu.vector_load %arg6[%get3A_103, %get3A_104] {strides = array<i32>} : memref<8x1024xf32, #tpu.memory_space<vmem>>, vector<1x16xf32>,
      %get3A_106 = vector.shape_cast %get3A_105 : vector<1x16xf32> to vector<16xf32>
      %get3A_107 = arith.constant 2 : i32
      %get3A_108 = arith.index_cast %get3A_107 : i32 to index
      %get3A_109 = arith.index_cast %mul3A_97 : i32 to index
      %get3A_110 = tpu.vector_load %arg6[%get3A_108, %get3A_109] {strides = array<i32>} : memref<8x1024xf32, #tpu.memory_space<vmem>>, vector<1x16xf32>,
      %get3A_111 = vector.shape_cast %get3A_110 : vector<1x16xf32> to vector<16xf32>
      %get3A_112 = arith.constant 3 : i32
      %get3A_113 = arith.index_cast %get3A_112 : i32 to index
      %get3A_114 = arith.index_cast %mul3A_97 : i32 to index
      %get3A_115 = tpu.vector_load %arg6[%get3A_113, %get3A_114] {strides = array<i32>} : memref<8x1024xf32, #tpu.memory_space<vmem>>, vector<1x16xf32>,
      %get3A_116 = vector.shape_cast %get3A_115 : vector<1x16xf32> to vector<16xf32>
      %get3A_117 = arith.constant 4 : i32
      %get3A_118 = arith.index_cast %get3A_117 : i32 to index
      %get3A_119 = arith.index_cast %mul3A_97 : i32 to index
      %get3A_120 = tpu.vector_load %arg6[%get3A_118, %get3A_119] {strides = array<i32>} : memref<8x1024xf32, #tpu.memory_space<vmem>>, vector<1x16xf32>,
      %get3A_121 = vector.shape_cast %get3A_120 : vector<1x16xf32> to vector<16xf32>
      %get3A_122 = arith.constant 5 : i32
      %get3A_123 = arith.index_cast %get3A_122 : i32 to index
      %get3A_124 = arith.index_cast %mul3A_97 : i32 to index
      %get3A_125 = tpu.vector_load %arg6[%get3A_123, %get3A_124] {strides = array<i32>} : memref<8x1024xf32, #tpu.memory_space<vmem>>, vector<1x16xf32>,
      %get3A_126 = vector.shape_cast %get3A_125 : vector<1x16xf32> to vector<16xf32>
      %get3A_127 = arith.constant 6 : i32
      %get3A_128 = arith.index_cast %get3A_127 : i32 to index
      %get3A_129 = arith.index_cast %mul3A_97 : i32 to index
      %get3A_130 = tpu.vector_load %arg6[%get3A_128, %get3A_129] {strides = array<i32>} : memref<8x1024xf32, #tpu.memory_space<vmem>>, vector<1x16xf32>,
      %get3A_131 = vector.shape_cast %get3A_130 : vector<1x16xf32> to vector<16xf32>
      %get3A_132 = arith.constant 7 : i32
      %get3A_133 = arith.index_cast %get3A_132 : i32 to index
      %get3A_134 = arith.index_cast %mul3A_97 : i32 to index
      %get3A_135 = tpu.vector_load %arg6[%get3A_133, %get3A_134] {strides = array<i32>} : memref<8x1024xf32, #tpu.memory_space<vmem>>, vector<1x16xf32>,
      %get3A_136 = vector.shape_cast %get3A_135 : vector<1x16xf32> to vector<16xf32>
      %max3A = arith.maximumf %get3A_101, %get3A_106 : vector<16xf32>
      %max3A_137 = arith.maximumf %max3A, %get3A_111 : vector<16xf32>
      %max3A_138 = arith.maximumf %max3A_137, %get3A_116 : vector<16xf32>
      %max3A_139 = arith.maximumf %max3A_138, %get3A_121 : vector<16xf32>
      %max3A_140 = arith.maximumf %max3A_139, %get3A_126 : vector<16xf32>
      %max3A_141 = arith.maximumf %max3A_140, %get3A_131 : vector<16xf32>
      %max3A_142 = arith.maximumf %max3A_141, %get3A_136 : vector<16xf32>
      %sub3A = arith.subf %get3A_101, %max3A_142 : vector<16xf32>
      %exp3A = math.exp %sub3A : vector<16xf32>
      %sub3A_143 = arith.subf %get3A_106, %max3A_142 : vector<16xf32>
      %exp3A_144 = math.exp %sub3A_143 : vector<16xf32>
      %sub3A_145 = arith.subf %get3A_111, %max3A_142 : vector<16xf32>
      %exp3A_146 = math.exp %sub3A_145 : vector<16xf32>
      %sub3A_147 = arith.subf %get3A_116, %max3A_142 : vector<16xf32>
      %exp3A_148 = math.exp %sub3A_147 : vector<16xf32>
      %sub3A_149 = arith.subf %get3A_121, %max3A_142 : vector<16xf32>
      %exp3A_150 = math.exp %sub3A_149 : vector<16xf32>
      %sub3A_151 = arith.subf %get3A_126, %max3A_142 : vector<16xf32>
      %exp3A_152 = math.exp %sub3A_151 : vector<16xf32>
      %sub3A_153 = arith.subf %get3A_131, %max3A_142 : vector<16xf32>
      %exp3A_154 = math.exp %sub3A_153 : vector<16xf32>
      %sub3A_155 = arith.subf %get3A_136, %max3A_142 : vector<16xf32>
      %exp3A_156 = math.exp %sub3A_155 : vector<16xf32>
      %add3A_157 = arith.addf %exp3A, %exp3A_144 : vector<16xf32>
      %add3A_158 = arith.addf %add3A_157, %exp3A_146 : vector<16xf32>
      %add3A_159 = arith.addf %add3A_158, %exp3A_148 : vector<16xf32>
      %add3A_160 = arith.addf %add3A_159, %exp3A_150 : vector<16xf32>
      %add3A_161 = arith.addf %add3A_160, %exp3A_152 : vector<16xf32>
      %add3A_162 = arith.addf %add3A_161, %exp3A_154 : vector<16xf32>
      %add3A_163 = arith.addf %add3A_162, %exp3A_156 : vector<16xf32>
      %div3A = arith.divf %broadcast_in_dim3A_5, %add3A_163 : vector<16xf32>
      %mul3A_164 = arith.mulf %exp3A, %div3A : vector<16xf32>
      %mul3A_165 = arith.mulf %exp3A_144, %div3A : vector<16xf32>
      %mul3A_166 = arith.mulf %exp3A_146, %div3A : vector<16xf32>
      %mul3A_167 = arith.mulf %exp3A_148, %div3A : vector<16xf32>
      %mul3A_168 = arith.mulf %exp3A_150, %div3A : vector<16xf32>
      %mul3A_169 = arith.mulf %exp3A_152, %div3A : vector<16xf32>
      %mul3A_170 = arith.mulf %exp3A_154, %div3A : vector<16xf32>
      %mul3A_171 = arith.mulf %exp3A_156, %div3A : vector<16xf32>
      %broadcast_in_dim3A_172 = arith.constant 0 : i32
      %broadcast_in_dim3A_173 = vector.broadcast %broadcast_in_dim3A_172 : i32 to vector<16xi32>
      %broadcast_in_dim3A_174 = arith.constant -1.000000e+00 : f32
      %broadcast_in_dim3A_175 = vector.broadcast %broadcast_in_dim3A_174 : f32 to vector<16xf32>
      %broadcast_in_dim3A_176 = arith.constant 0 : i32
      %broadcast_in_dim3A_177 = vector.broadcast %broadcast_in_dim3A_176 : i32 to vector<16xi32>
      %broadcast_in_dim3A_178 = arith.constant 1 : i32
      %broadcast_in_dim3A_179 = vector.broadcast %broadcast_in_dim3A_178 : i32 to vector<16xi32>
      %gt3A = arith.cmpf ogt, %mul3A_165, %mul3A_164 : vector<16xf32>
      %gt3A_180 = arith.cmpf ogt, %mul3A_165, %broadcast_in_dim3A_175 : vector<16xf32>
      %select_n3A = arith.select %gt3A_180, %broadcast_in_dim3A_179, %broadcast_in_dim3A_177 : vector<16xi1>, vector<16xi32>
      %select_n3A_181 = arith.select %gt3A, %broadcast_in_dim3A_173, %select_n3A : vector<16xi1>, vector<16xi32>
      %select_n3A_182 = arith.select %gt3A_180, %mul3A_165, %broadcast_in_dim3A_175 : vector<16xi1>, vector<16xf32>
      %select_n3A_183 = arith.select %gt3A, %mul3A_164, %select_n3A_182 : vector<16xi1>, vector<16xf32>
      %select_n3A_184 = arith.select %gt3A, %broadcast_in_dim3A_179, %broadcast_in_dim3A_173 : vector<16xi1>, vector<16xi32>
      %select_n3A_185 = arith.select %gt3A, %mul3A_165, %mul3A_164 : vector<16xi1>, vector<16xf32>
      %broadcast_in_dim3A_186 = arith.constant 2 : i32
      %broadcast_in_dim3A_187 = vector.broadcast %broadcast_in_dim3A_186 : i32 to vector<16xi32>
      %gt3A_188 = arith.cmpf ogt, %mul3A_166, %select_n3A_185 : vector<16xf32>
      %gt3A_189 = arith.cmpf ogt, %mul3A_166, %select_n3A_183 : vector<16xf32>
      %select_n3A_190 = arith.select %gt3A_189, %broadcast_in_dim3A_187, %select_n3A_181 : vector<16xi1>, vector<16xi32>
      %select_n3A_191 = arith.select %gt3A_188, %select_n3A_184, %select_n3A_190 : vector<16xi1>, vector<16xi32>
      %select_n3A_192 = arith.select %gt3A_189, %mul3A_166, %select_n3A_183 : vector<16xi1>, vector<16xf32>
      %select_n3A_193 = arith.select %gt3A_188, %select_n3A_185, %select_n3A_192 : vector<16xi1>, vector<16xf32>
      %select_n3A_194 = arith.select %gt3A_188, %broadcast_in_dim3A_187, %select_n3A_184 : vector<16xi1>, vector<16xi32>
      %select_n3A_195 = arith.select %gt3A_188, %mul3A_166, %select_n3A_185 : vector<16xi1>, vector<16xf32>
      %broadcast_in_dim3A_196 = arith.constant 3 : i32
      %broadcast_in_dim3A_197 = vector.broadcast %broadcast_in_dim3A_196 : i32 to vector<16xi32>
      %gt3A_198 = arith.cmpf ogt, %mul3A_167, %select_n3A_195 : vector<16xf32>
      %gt3A_199 = arith.cmpf ogt, %mul3A_167, %select_n3A_193 : vector<16xf32>
      %select_n3A_200 = arith.select %gt3A_199, %broadcast_in_dim3A_197, %select_n3A_191 : vector<16xi1>, vector<16xi32>
      %select_n3A_201 = arith.select %gt3A_198, %select_n3A_194, %select_n3A_200 : vector<16xi1>, vector<16xi32>
      %select_n3A_202 = arith.select %gt3A_199, %mul3A_167, %select_n3A_193 : vector<16xi1>, vector<16xf32>
      %select_n3A_203 = arith.select %gt3A_198, %select_n3A_195, %select_n3A_202 : vector<16xi1>, vector<16xf32>
      %select_n3A_204 = arith.select %gt3A_198, %broadcast_in_dim3A_197, %select_n3A_194 : vector<16xi1>, vector<16xi32>
      %select_n3A_205 = arith.select %gt3A_198, %mul3A_167, %select_n3A_195 : vector<16xi1>, vector<16xf32>
      %broadcast_in_dim3A_206 = arith.constant 4 : i32
      %broadcast_in_dim3A_207 = vector.broadcast %broadcast_in_dim3A_206 : i32 to vector<16xi32>
      %gt3A_208 = arith.cmpf ogt, %mul3A_168, %select_n3A_205 : vector<16xf32>
      %gt3A_209 = arith.cmpf ogt, %mul3A_168, %select_n3A_203 : vector<16xf32>
      %select_n3A_210 = arith.select %gt3A_209, %broadcast_in_dim3A_207, %select_n3A_201 : vector<16xi1>, vector<16xi32>
      %select_n3A_211 = arith.select %gt3A_208, %select_n3A_204, %select_n3A_210 : vector<16xi1>, vector<16xi32>
      %select_n3A_212 = arith.select %gt3A_209, %mul3A_168, %select_n3A_203 : vector<16xi1>, vector<16xf32>
      %select_n3A_213 = arith.select %gt3A_208, %select_n3A_205, %select_n3A_212 : vector<16xi1>, vector<16xf32>
      %select_n3A_214 = arith.select %gt3A_208, %broadcast_in_dim3A_207, %select_n3A_204 : vector<16xi1>, vector<16xi32>
      %select_n3A_215 = arith.select %gt3A_208, %mul3A_168, %select_n3A_205 : vector<16xi1>, vector<16xf32>
      %broadcast_in_dim3A_216 = arith.constant 5 : i32
      %broadcast_in_dim3A_217 = vector.broadcast %broadcast_in_dim3A_216 : i32 to vector<16xi32>
      %gt3A_218 = arith.cmpf ogt, %mul3A_169, %select_n3A_215 : vector<16xf32>
      %gt3A_219 = arith.cmpf ogt, %mul3A_169, %select_n3A_213 : vector<16xf32>
      %select_n3A_220 = arith.select %gt3A_219, %broadcast_in_dim3A_217, %select_n3A_211 : vector<16xi1>, vector<16xi32>
      %select_n3A_221 = arith.select %gt3A_218, %select_n3A_214, %select_n3A_220 : vector<16xi1>, vector<16xi32>
      %select_n3A_222 = arith.select %gt3A_219, %mul3A_169, %select_n3A_213 : vector<16xi1>, vector<16xf32>
      %select_n3A_223 = arith.select %gt3A_218, %select_n3A_215, %select_n3A_222 : vector<16xi1>, vector<16xf32>
      %select_n3A_224 = arith.select %gt3A_218, %broadcast_in_dim3A_217, %select_n3A_214 : vector<16xi1>, vector<16xi32>
      %select_n3A_225 = arith.select %gt3A_218, %mul3A_169, %select_n3A_215 : vector<16xi1>, vector<16xf32>
      %broadcast_in_dim3A_226 = arith.constant 6 : i32
      %broadcast_in_dim3A_227 = vector.broadcast %broadcast_in_dim3A_226 : i32 to vector<16xi32>
      %gt3A_228 = arith.cmpf ogt, %mul3A_170, %select_n3A_225 : vector<16xf32>
      %gt3A_229 = arith.cmpf ogt, %mul3A_170, %select_n3A_223 : vector<16xf32>
      %select_n3A_230 = arith.select %gt3A_229, %broadcast_in_dim3A_227, %select_n3A_221 : vector<16xi1>, vector<16xi32>
      %select_n3A_231 = arith.select %gt3A_228, %select_n3A_224, %select_n3A_230 : vector<16xi1>, vector<16xi32>
      %select_n3A_232 = arith.select %gt3A_229, %mul3A_170, %select_n3A_223 : vector<16xi1>, vector<16xf32>
      %select_n3A_233 = arith.select %gt3A_228, %select_n3A_225, %select_n3A_232 : vector<16xi1>, vector<16xf32>
      %select_n3A_234 = arith.select %gt3A_228, %broadcast_in_dim3A_227, %select_n3A_224 : vector<16xi1>, vector<16xi32>
      %select_n3A_235 = arith.select %gt3A_228, %mul3A_170, %select_n3A_225 : vector<16xi1>, vector<16xf32>
      %broadcast_in_dim3A_236 = arith.constant 7 : i32
      %broadcast_in_dim3A_237 = vector.broadcast %broadcast_in_dim3A_236 : i32 to vector<16xi32>
      %gt3A_238 = arith.cmpf ogt, %mul3A_171, %select_n3A_235 : vector<16xf32>
      %gt3A_239 = arith.cmpf ogt, %mul3A_171, %select_n3A_233 : vector<16xf32>
      %select_n3A_240 = arith.select %gt3A_239, %broadcast_in_dim3A_237, %select_n3A_231 : vector<16xi1>, vector<16xi32>
      %select_n3A_241 = arith.select %gt3A_238, %select_n3A_234, %select_n3A_240 : vector<16xi1>, vector<16xi32>
      %select_n3A_242 = arith.select %gt3A_239, %mul3A_171, %select_n3A_233 : vector<16xi1>, vector<16xf32>
      %select_n3A_243 = arith.select %gt3A_238, %select_n3A_235, %select_n3A_242 : vector<16xi1>, vector<16xf32>
      %select_n3A_244 = arith.select %gt3A_238, %broadcast_in_dim3A_237, %select_n3A_234 : vector<16xi1>, vector<16xi32>
      %select_n3A_245 = arith.select %gt3A_238, %mul3A_171, %select_n3A_235 : vector<16xi1>, vector<16xf32>
      %swap3A_246 = arith.index_cast %mul3A_97 : i32 to index
      %swap3A_247 = tpu.vector_load %arg7[%swap3A_246] {strides = array<i32>} : memref<1024xf32, #tpu.memory_space<vmem>>, vector<16xf32>,
      %swap3A_248 = vector.shape_cast %swap3A_247 : vector<16xf32> to vector<16xf32>
      %swap3A_249 = vector.shape_cast %select_n3A_245 : vector<16xf32> to vector<16xf32>
      tpu.vector_store %arg7[%swap3A_246], %swap3A_249 {strides = array<i32>} : memref<1024xf32, #tpu.memory_space<vmem>>, vector<16xf32>,
      %swap3A_250 = arith.index_cast %mul3A_97 : i32 to index
      %swap3A_251 = tpu.vector_load %arg8[%swap3A_250] {strides = array<i32>} : memref<1024xf32, #tpu.memory_space<vmem>>, vector<16xf32>,
      %swap3A_252 = vector.shape_cast %swap3A_251 : vector<16xf32> to vector<16xf32>
      %swap3A_253 = vector.shape_cast %select_n3A_243 : vector<16xf32> to vector<16xf32>
      tpu.vector_store %arg8[%swap3A_250], %swap3A_253 {strides = array<i32>} : memref<1024xf32, #tpu.memory_space<vmem>>, vector<16xf32>,
      %swap3A_254 = arith.index_cast %mul3A_97 : i32 to index
      %swap3A_255 = tpu.vector_load %arg9[%swap3A_254] {strides = array<i32>} : memref<1024xi32, #tpu.memory_space<vmem>>, vector<16xi32>,
      %swap3A_256 = vector.shape_cast %swap3A_255 : vector<16xi32> to vector<16xi32>
      %swap3A_257 = vector.shape_cast %select_n3A_244 : vector<16xi32> to vector<16xi32>
      tpu.vector_store %arg9[%swap3A_254], %swap3A_257 {strides = array<i32>} : memref<1024xi32, #tpu.memory_space<vmem>>, vector<16xi32>,
      %swap3A_258 = arith.index_cast %mul3A_97 : i32 to index
      %swap3A_259 = tpu.vector_load %arg10[%swap3A_258] {strides = array<i32>} : memref<1024xi32, #tpu.memory_space<vmem>>, vector<16xi32>,
      %swap3A_260 = vector.shape_cast %swap3A_259 : vector<16xi32> to vector<16xi32>
      %swap3A_261 = vector.shape_cast %select_n3A_241 : vector<16xi32> to vector<16xi32>
      tpu.vector_store %arg10[%swap3A_258], %swap3A_261 {strides = array<i32>} : memref<1024xi32, #tpu.memory_space<vmem>>, vector<16xi32>,
      %add3A_262 = arith.addf %scan3A_80, %mul3A_164 : vector<16xf32>
      %add3A_263 = arith.addf %scan3A_81, %mul3A_165 : vector<16xf32>
      %add3A_264 = arith.addf %scan3A_82, %mul3A_166 : vector<16xf32>
      %add3A_265 = arith.addf %scan3A_83, %mul3A_167 : vector<16xf32>
      %add3A_266 = arith.addf %scan3A_84, %mul3A_168 : vector<16xf32>
      %add3A_267 = arith.addf %scan3A_85, %mul3A_169 : vector<16xf32>
      %add3A_268 = arith.addf %scan3A_86, %mul3A_170 : vector<16xf32>
      %add3A_269 = arith.addf %scan3A_87, %mul3A_171 : vector<16xf32>
      %eq3A = arith.constant 0 : i32
      %eq3A_270 = vector.broadcast %eq3A : i32 to vector<16xi32>
      %eq3A_271 = arith.cmpi eq, %select_n3A_244, %eq3A_270 : vector<16xi32>
      %select_n3A_272 = arith.select %eq3A_271, %broadcast_in_dim3A_5, %broadcast_in_dim3A_3 : vector<16xi1>, vector<16xf32>
      %add3A_273 = arith.addf %scan3A_88, %select_n3A_272 : vector<16xf32>
      %eq3A_274 = arith.constant 0 : i32
      %eq3A_275 = vector.broadcast %eq3A_274 : i32 to vector<16xi32>
      %eq3A_276 = arith.cmpi eq, %select_n3A_241, %eq3A_275 : vector<16xi32>
      %select_n3A_277 = arith.select %eq3A_276, %broadcast_in_dim3A_5, %broadcast_in_dim3A_3 : vector<16xi1>, vector<16xf32>
      %add3A_278 = arith.addf %add3A_273, %select_n3A_277 : vector<16xf32>
      %eq3A_279 = arith.constant 1 : i32
      %eq3A_280 = vector.broadcast %eq3A_279 : i32 to vector<16xi32>
      %eq3A_281 = arith.cmpi eq, %select_n3A_244, %eq3A_280 : vector<16xi32>
      %select_n3A_282 = arith.select %eq3A_281, %broadcast_in_dim3A_5, %broadcast_in_dim3A_3 : vector<16xi1>, vector<16xf32>
      %add3A_283 = arith.addf %scan3A_89, %select_n3A_282 : vector<16xf32>
      %eq3A_284 = arith.constant 1 : i32
      %eq3A_285 = vector.broadcast %eq3A_284 : i32 to vector<16xi32>
      %eq3A_286 = arith.cmpi eq, %select_n3A_241, %eq3A_285 : vector<16xi32>
      %select_n3A_287 = arith.select %eq3A_286, %broadcast_in_dim3A_5, %broadcast_in_dim3A_3 : vector<16xi1>, vector<16xf32>
      %add3A_288 = arith.addf %add3A_283, %select_n3A_287 : vector<16xf32>
      %eq3A_289 = arith.constant 2 : i32
      %eq3A_290 = vector.broadcast %eq3A_289 : i32 to vector<16xi32>
      %eq3A_291 = arith.cmpi eq, %select_n3A_244, %eq3A_290 : vector<16xi32>
      %select_n3A_292 = arith.select %eq3A_291, %broadcast_in_dim3A_5, %broadcast_in_dim3A_3 : vector<16xi1>, vector<16xf32>
      %add3A_293 = arith.addf %scan3A_90, %select_n3A_292 : vector<16xf32>
      %eq3A_294 = arith.constant 2 : i32
      %eq3A_295 = vector.broadcast %eq3A_294 : i32 to vector<16xi32>
      %eq3A_296 = arith.cmpi eq, %select_n3A_241, %eq3A_295 : vector<16xi32>
      %select_n3A_297 = arith.select %eq3A_296, %broadcast_in_dim3A_5, %broadcast_in_dim3A_3 : vector<16xi1>, vector<16xf32>
      %add3A_298 = arith.addf %add3A_293, %select_n3A_297 : vector<16xf32>
      %eq3A_299 = arith.constant 3 : i32
      %eq3A_300 = vector.broadcast %eq3A_299 : i32 to vector<16xi32>
      %eq3A_301 = arith.cmpi eq, %select_n3A_244, %eq3A_300 : vector<16xi32>
      %select_n3A_302 = arith.select %eq3A_301, %broadcast_in_dim3A_5, %broadcast_in_dim3A_3 : vector<16xi1>, vector<16xf32>
      %add3A_303 = arith.addf %scan3A_91, %select_n3A_302 : vector<16xf32>
      %eq3A_304 = arith.constant 3 : i32
      %eq3A_305 = vector.broadcast %eq3A_304 : i32 to vector<16xi32>
      %eq3A_306 = arith.cmpi eq, %select_n3A_241, %eq3A_305 : vector<16xi32>
      %select_n3A_307 = arith.select %eq3A_306, %broadcast_in_dim3A_5, %broadcast_in_dim3A_3 : vector<16xi1>, vector<16xf32>
      %add3A_308 = arith.addf %add3A_303, %select_n3A_307 : vector<16xf32>
      %eq3A_309 = arith.constant 4 : i32
      %eq3A_310 = vector.broadcast %eq3A_309 : i32 to vector<16xi32>
      %eq3A_311 = arith.cmpi eq, %select_n3A_244, %eq3A_310 : vector<16xi32>
      %select_n3A_312 = arith.select %eq3A_311, %broadcast_in_dim3A_5, %broadcast_in_dim3A_3 : vector<16xi1>, vector<16xf32>
      %add3A_313 = arith.addf %scan3A_92, %select_n3A_312 : vector<16xf32>
      %eq3A_314 = arith.constant 4 : i32
      %eq3A_315 = vector.broadcast %eq3A_314 : i32 to vector<16xi32>
      %eq3A_316 = arith.cmpi eq, %select_n3A_241, %eq3A_315 : vector<16xi32>
      %select_n3A_317 = arith.select %eq3A_316, %broadcast_in_dim3A_5, %broadcast_in_dim3A_3 : vector<16xi1>, vector<16xf32>
      %add3A_318 = arith.addf %add3A_313, %select_n3A_317 : vector<16xf32>
      %eq3A_319 = arith.constant 5 : i32
      %eq3A_320 = vector.broadcast %eq3A_319 : i32 to vector<16xi32>
      %eq3A_321 = arith.cmpi eq, %select_n3A_244, %eq3A_320 : vector<16xi32>
      %select_n3A_322 = arith.select %eq3A_321, %broadcast_in_dim3A_5, %broadcast_in_dim3A_3 : vector<16xi1>, vector<16xf32>
      %add3A_323 = arith.addf %scan3A_93, %select_n3A_322 : vector<16xf32>
      %eq3A_324 = arith.constant 5 : i32
      %eq3A_325 = vector.broadcast %eq3A_324 : i32 to vector<16xi32>
      %eq3A_326 = arith.cmpi eq, %select_n3A_241, %eq3A_325 : vector<16xi32>
      %select_n3A_327 = arith.select %eq3A_326, %broadcast_in_dim3A_5, %broadcast_in_dim3A_3 : vector<16xi1>, vector<16xf32>
      %add3A_328 = arith.addf %add3A_323, %select_n3A_327 : vector<16xf32>
      %eq3A_329 = arith.constant 6 : i32
      %eq3A_330 = vector.broadcast %eq3A_329 : i32 to vector<16xi32>
      %eq3A_331 = arith.cmpi eq, %select_n3A_244, %eq3A_330 : vector<16xi32>
      %select_n3A_332 = arith.select %eq3A_331, %broadcast_in_dim3A_5, %broadcast_in_dim3A_3 : vector<16xi1>, vector<16xf32>
      %add3A_333 = arith.addf %scan3A_94, %select_n3A_332 : vector<16xf32>
      %eq3A_334 = arith.constant 6 : i32
      %eq3A_335 = vector.broadcast %eq3A_334 : i32 to vector<16xi32>
      %eq3A_336 = arith.cmpi eq, %select_n3A_241, %eq3A_335 : vector<16xi32>
      %select_n3A_337 = arith.select %eq3A_336, %broadcast_in_dim3A_5, %broadcast_in_dim3A_3 : vector<16xi1>, vector<16xf32>
      %add3A_338 = arith.addf %add3A_333, %select_n3A_337 : vector<16xf32>
      %eq3A_339 = arith.constant 7 : i32
      %eq3A_340 = vector.broadcast %eq3A_339 : i32 to vector<16xi32>
      %eq3A_341 = arith.cmpi eq, %select_n3A_244, %eq3A_340 : vector<16xi32>
      %select_n3A_342 = arith.select %eq3A_341, %broadcast_in_dim3A_5, %broadcast_in_dim3A_3 : vector<16xi1>, vector<16xf32>
      %add3A_343 = arith.addf %scan3A_95, %select_n3A_342 : vector<16xf32>
      %eq3A_344 = arith.constant 7 : i32
      %eq3A_345 = vector.broadcast %eq3A_344 : i32 to vector<16xi32>
      %eq3A_346 = arith.cmpi eq, %select_n3A_241, %eq3A_345 : vector<16xi32>
      %select_n3A_347 = arith.select %eq3A_346, %broadcast_in_dim3A_5, %broadcast_in_dim3A_3 : vector<16xi1>, vector<16xf32>
      %add3A_348 = arith.addf %add3A_343, %select_n3A_347 : vector<16xf32>
      scf.yield %add3A_262, %add3A_263, %add3A_264, %add3A_265, %add3A_266, %add3A_267, %add3A_268, %add3A_269, %add3A_278, %add3A_288, %add3A_298, %add3A_308, %add3A_318, %add3A_328, %add3A_338, %add3A_348 : vector<16xf32>, vector<16xf32>, vector<16xf32>, vector<16xf32>, vector<16xf32>, vector<16xf32>, vector<16xf32>, vector<16xf32>, vector<16xf32>, vector<16xf32>, vector<16xf32>, vector<16xf32>, vector<16xf32>, vector<16xf32>, vector<16xf32>, vector<16xf32>
    }
    %scan3A_10 = arith.constant 64 : i32
    %swap3A = arith.constant 0 : index
    %swap3A_11 = tpu.vector_load %arg11[%swap3A] {strides = array<i32>} : memref<128xf32, #tpu.memory_space<vmem>>, vector<16xf32>,
    %swap3A_12 = vector.shape_cast %swap3A_11 : vector<16xf32> to vector<16xf32>
    %swap3A_13 = vector.shape_cast %scan3A_9#0 : vector<16xf32> to vector<16xf32>
    tpu.vector_store %arg11[%swap3A], %swap3A_13 {strides = array<i32>} : memref<128xf32, #tpu.memory_space<vmem>>, vector<16xf32>,
    %swap3A_14 = arith.constant 0 : index
    %swap3A_15 = tpu.vector_load %arg12[%swap3A_14] {strides = array<i32>} : memref<128xf32, #tpu.memory_space<vmem>>, vector<16xf32>,
    %swap3A_16 = vector.shape_cast %swap3A_15 : vector<16xf32> to vector<16xf32>
    %swap3A_17 = vector.shape_cast %scan3A_9#8 : vector<16xf32> to vector<16xf32>
    tpu.vector_store %arg12[%swap3A_14], %swap3A_17 {strides = array<i32>} : memref<128xf32, #tpu.memory_space<vmem>>, vector<16xf32>,
    %swap3A_18 = arith.constant 16 : index
    %swap3A_19 = tpu.vector_load %arg11[%swap3A_18] {strides = array<i32>} : memref<128xf32, #tpu.memory_space<vmem>>, vector<16xf32>,
    %swap3A_20 = vector.shape_cast %swap3A_19 : vector<16xf32> to vector<16xf32>
    %swap3A_21 = vector.shape_cast %scan3A_9#1 : vector<16xf32> to vector<16xf32>
    tpu.vector_store %arg11[%swap3A_18], %swap3A_21 {strides = array<i32>} : memref<128xf32, #tpu.memory_space<vmem>>, vector<16xf32>,
    %swap3A_22 = arith.constant 16 : index
    %swap3A_23 = tpu.vector_load %arg12[%swap3A_22] {strides = array<i32>} : memref<128xf32, #tpu.memory_space<vmem>>, vector<16xf32>,
    %swap3A_24 = vector.shape_cast %swap3A_23 : vector<16xf32> to vector<16xf32>
    %swap3A_25 = vector.shape_cast %scan3A_9#9 : vector<16xf32> to vector<16xf32>
    tpu.vector_store %arg12[%swap3A_22], %swap3A_25 {strides = array<i32>} : memref<128xf32, #tpu.memory_space<vmem>>, vector<16xf32>,
    %swap3A_26 = arith.constant 32 : index
    %swap3A_27 = tpu.vector_load %arg11[%swap3A_26] {strides = array<i32>} : memref<128xf32, #tpu.memory_space<vmem>>, vector<16xf32>,
    %swap3A_28 = vector.shape_cast %swap3A_27 : vector<16xf32> to vector<16xf32>
    %swap3A_29 = vector.shape_cast %scan3A_9#2 : vector<16xf32> to vector<16xf32>
    tpu.vector_store %arg11[%swap3A_26], %swap3A_29 {strides = array<i32>} : memref<128xf32, #tpu.memory_space<vmem>>, vector<16xf32>,
    %swap3A_30 = arith.constant 32 : index
    %swap3A_31 = tpu.vector_load %arg12[%swap3A_30] {strides = array<i32>} : memref<128xf32, #tpu.memory_space<vmem>>, vector<16xf32>,
    %swap3A_32 = vector.shape_cast %swap3A_31 : vector<16xf32> to vector<16xf32>
    %swap3A_33 = vector.shape_cast %scan3A_9#10 : vector<16xf32> to vector<16xf32>
    tpu.vector_store %arg12[%swap3A_30], %swap3A_33 {strides = array<i32>} : memref<128xf32, #tpu.memory_space<vmem>>, vector<16xf32>,
    %swap3A_34 = arith.constant 48 : index
    %swap3A_35 = tpu.vector_load %arg11[%swap3A_34] {strides = array<i32>} : memref<128xf32, #tpu.memory_space<vmem>>, vector<16xf32>,
    %swap3A_36 = vector.shape_cast %swap3A_35 : vector<16xf32> to vector<16xf32>
    %swap3A_37 = vector.shape_cast %scan3A_9#3 : vector<16xf32> to vector<16xf32>
    tpu.vector_store %arg11[%swap3A_34], %swap3A_37 {strides = array<i32>} : memref<128xf32, #tpu.memory_space<vmem>>, vector<16xf32>,
    %swap3A_38 = arith.constant 48 : index
    %swap3A_39 = tpu.vector_load %arg12[%swap3A_38] {strides = array<i32>} : memref<128xf32, #tpu.memory_space<vmem>>, vector<16xf32>,
    %swap3A_40 = vector.shape_cast %swap3A_39 : vector<16xf32> to vector<16xf32>
    %swap3A_41 = vector.shape_cast %scan3A_9#11 : vector<16xf32> to vector<16xf32>
    tpu.vector_store %arg12[%swap3A_38], %swap3A_41 {strides = array<i32>} : memref<128xf32, #tpu.memory_space<vmem>>, vector<16xf32>,
    %swap3A_42 = arith.constant 64 : index
    %swap3A_43 = tpu.vector_load %arg11[%swap3A_42] {strides = array<i32>} : memref<128xf32, #tpu.memory_space<vmem>>, vector<16xf32>,
    %swap3A_44 = vector.shape_cast %swap3A_43 : vector<16xf32> to vector<16xf32>
    %swap3A_45 = vector.shape_cast %scan3A_9#4 : vector<16xf32> to vector<16xf32>
    tpu.vector_store %arg11[%swap3A_42], %swap3A_45 {strides = array<i32>} : memref<128xf32, #tpu.memory_space<vmem>>, vector<16xf32>,
    %swap3A_46 = arith.constant 64 : index
    %swap3A_47 = tpu.vector_load %arg12[%swap3A_46] {strides = array<i32>} : memref<128xf32, #tpu.memory_space<vmem>>, vector<16xf32>,
    %swap3A_48 = vector.shape_cast %swap3A_47 : vector<16xf32> to vector<16xf32>
    %swap3A_49 = vector.shape_cast %scan3A_9#12 : vector<16xf32> to vector<16xf32>
    tpu.vector_store %arg12[%swap3A_46], %swap3A_49 {strides = array<i32>} : memref<128xf32, #tpu.memory_space<vmem>>, vector<16xf32>,
    %swap3A_50 = arith.constant 80 : index
    %swap3A_51 = tpu.vector_load %arg11[%swap3A_50] {strides = array<i32>} : memref<128xf32, #tpu.memory_space<vmem>>, vector<16xf32>,
    %swap3A_52 = vector.shape_cast %swap3A_51 : vector<16xf32> to vector<16xf32>
    %swap3A_53 = vector.shape_cast %scan3A_9#5 : vector<16xf32> to vector<16xf32>
    tpu.vector_store %arg11[%swap3A_50], %swap3A_53 {strides = array<i32>} : memref<128xf32, #tpu.memory_space<vmem>>, vector<16xf32>,
    %swap3A_54 = arith.constant 80 : index
    %swap3A_55 = tpu.vector_load %arg12[%swap3A_54] {strides = array<i32>} : memref<128xf32, #tpu.memory_space<vmem>>, vector<16xf32>,
    %swap3A_56 = vector.shape_cast %swap3A_55 : vector<16xf32> to vector<16xf32>
    %swap3A_57 = vector.shape_cast %scan3A_9#13 : vector<16xf32> to vector<16xf32>
    tpu.vector_store %arg12[%swap3A_54], %swap3A_57 {strides = array<i32>} : memref<128xf32, #tpu.memory_space<vmem>>, vector<16xf32>,
    %swap3A_58 = arith.constant 96 : index
    %swap3A_59 = tpu.vector_load %arg11[%swap3A_58] {strides = array<i32>} : memref<128xf32, #tpu.memory_space<vmem>>, vector<16xf32>,
    %swap3A_60 = vector.shape_cast %swap3A_59 : vector<16xf32> to vector<16xf32>
    %swap3A_61 = vector.shape_cast %scan3A_9#6 : vector<16xf32> to vector<16xf32>
    tpu.vector_store %arg11[%swap3A_58], %swap3A_61 {strides = array<i32>} : memref<128xf32, #tpu.memory_space<vmem>>, vector<16xf32>,
    %swap3A_62 = arith.constant 96 : index
    %swap3A_63 = tpu.vector_load %arg12[%swap3A_62] {strides = array<i32>} : memref<128xf32, #tpu.memory_space<vmem>>, vector<16xf32>,
    %swap3A_64 = vector.shape_cast %swap3A_63 : vector<16xf32> to vector<16xf32>
    %swap3A_65 = vector.shape_cast %scan3A_9#14 : vector<16xf32> to vector<16xf32>
    tpu.vector_store %arg12[%swap3A_62], %swap3A_65 {strides = array<i32>} : memref<128xf32, #tpu.memory_space<vmem>>, vector<16xf32>,
    %swap3A_66 = arith.constant 112 : index
    %swap3A_67 = tpu.vector_load %arg11[%swap3A_66] {strides = array<i32>} : memref<128xf32, #tpu.memory_space<vmem>>, vector<16xf32>,
    %swap3A_68 = vector.shape_cast %swap3A_67 : vector<16xf32> to vector<16xf32>
    %swap3A_69 = vector.shape_cast %scan3A_9#7 : vector<16xf32> to vector<16xf32>
    tpu.vector_store %arg11[%swap3A_66], %swap3A_69 {strides = array<i32>} : memref<128xf32, #tpu.memory_space<vmem>>, vector<16xf32>,
    %swap3A_70 = arith.constant 112 : index
    %swap3A_71 = tpu.vector_load %arg12[%swap3A_70] {strides = array<i32>} : memref<128xf32, #tpu.memory_space<vmem>>, vector<16xf32>,
    %swap3A_72 = vector.shape_cast %swap3A_71 : vector<16xf32> to vector<16xf32>
    %swap3A_73 = vector.shape_cast %scan3A_9#15 : vector<16xf32> to vector<16xf32>
    tpu.vector_store %arg12[%swap3A_70], %swap3A_73 {strides = array<i32>} : memref<128xf32, #tpu.memory_space<vmem>>, vector<16xf32>,
    %run_scoped3A = arith.constant 0 : i32
    "tpu.region"() ({
      %run_scoped3A_79 = tpu.sem_alloc : memref<!tpu.dma_semaphore, #tpu.memory_space<semaphore_mem>>
      %dma_start3A = tpu.memref_slice %arg3[%run_scoped3A, %mul3A_2] : memref<2x32768xf32, #tpu.memory_space<hbm>> -> memref<1x1024xf32, #tpu.memory_space<hbm>>
      %dma_start3A_80 = tpu.memref_squeeze %dma_start3A : memref<1x1024xf32, #tpu.memory_space<hbm>> -> memref<1024xf32, #tpu.memory_space<hbm>>
      %dma_start3A_81 = tpu.memref_slice %arg3[%run_scoped3A, %mul3A_2] : memref<2x32768xf32, #tpu.memory_space<hbm>> -> memref<1x1024xf32, #tpu.memory_space<hbm>>
      %dma_start3A_82 = tpu.memref_squeeze %dma_start3A_81 : memref<1x1024xf32, #tpu.memory_space<hbm>> -> memref<1024xf32, #tpu.memory_space<hbm>>
      tpu.enqueue_dma source(%arg7 : memref<1024xf32, #tpu.memory_space<vmem>>) target(%dma_start3A_82 : memref<1024xf32, #tpu.memory_space<hbm>>) target_semaphore(%run_scoped3A_79 : memref<!tpu.dma_semaphore, #tpu.memory_space<semaphore_mem>>)
      %dma_wait3A = tpu.memref_slice %arg3[%run_scoped3A, %mul3A_2] : memref<2x32768xf32, #tpu.memory_space<hbm>> -> memref<1x1024xf32, #tpu.memory_space<hbm>>
      %dma_wait3A_83 = tpu.memref_squeeze %dma_wait3A : memref<1x1024xf32, #tpu.memory_space<hbm>> -> memref<1024xf32, #tpu.memory_space<hbm>>
      %dma_wait3A_84 = tpu.memref_slice %arg3[%run_scoped3A, %mul3A_2] : memref<2x32768xf32, #tpu.memory_space<hbm>> -> memref<1x1024xf32, #tpu.memory_space<hbm>>
      %dma_wait3A_85 = tpu.memref_squeeze %dma_wait3A_84 : memref<1x1024xf32, #tpu.memory_space<hbm>> -> memref<1024xf32, #tpu.memory_space<hbm>>
      tpu.wait_dma2 semaphore(%run_scoped3A_79 : memref<!tpu.dma_semaphore, #tpu.memory_space<semaphore_mem>>) src(%arg7 : memref<1024xf32, #tpu.memory_space<vmem>>) dst(%dma_wait3A_85 : memref<1024xf32, #tpu.memory_space<hbm>>)
      tpu.yield
    }) : () -> ()
    %run_scoped3A_74 = arith.constant 1 : i32
    "tpu.region"() ({
      %run_scoped3A_79 = tpu.sem_alloc : memref<!tpu.dma_semaphore, #tpu.memory_space<semaphore_mem>>
      %dma_start3A = tpu.memref_slice %arg3[%run_scoped3A_74, %mul3A_2] : memref<2x32768xf32, #tpu.memory_space<hbm>> -> memref<1x1024xf32, #tpu.memory_space<hbm>>
      %dma_start3A_80 = tpu.memref_squeeze %dma_start3A : memref<1x1024xf32, #tpu.memory_space<hbm>> -> memref<1024xf32, #tpu.memory_space<hbm>>
      %dma_start3A_81 = tpu.memref_slice %arg3[%run_scoped3A_74, %mul3A_2] : memref<2x32768xf32, #tpu.memory_space<hbm>> -> memref<1x1024xf32, #tpu.memory_space<hbm>>
      %dma_start3A_82 = tpu.memref_squeeze %dma_start3A_81 : memref<1x1024xf32, #tpu.memory_space<hbm>> -> memref<1024xf32, #tpu.memory_space<hbm>>
      tpu.enqueue_dma source(%arg8 : memref<1024xf32, #tpu.memory_space<vmem>>) target(%dma_start3A_82 : memref<1024xf32, #tpu.memory_space<hbm>>) target_semaphore(%run_scoped3A_79 : memref<!tpu.dma_semaphore, #tpu.memory_space<semaphore_mem>>)
      %dma_wait3A = tpu.memref_slice %arg3[%run_scoped3A_74, %mul3A_2] : memref<2x32768xf32, #tpu.memory_space<hbm>> -> memref<1x1024xf32, #tpu.memory_space<hbm>>
      %dma_wait3A_83 = tpu.memref_squeeze %dma_wait3A : memref<1x1024xf32, #tpu.memory_space<hbm>> -> memref<1024xf32, #tpu.memory_space<hbm>>
      %dma_wait3A_84 = tpu.memref_slice %arg3[%run_scoped3A_74, %mul3A_2] : memref<2x32768xf32, #tpu.memory_space<hbm>> -> memref<1x1024xf32, #tpu.memory_space<hbm>>
      %dma_wait3A_85 = tpu.memref_squeeze %dma_wait3A_84 : memref<1x1024xf32, #tpu.memory_space<hbm>> -> memref<1024xf32, #tpu.memory_space<hbm>>
      tpu.wait_dma2 semaphore(%run_scoped3A_79 : memref<!tpu.dma_semaphore, #tpu.memory_space<semaphore_mem>>) src(%arg8 : memref<1024xf32, #tpu.memory_space<vmem>>) dst(%dma_wait3A_85 : memref<1024xf32, #tpu.memory_space<hbm>>)
      tpu.yield
    }) : () -> ()
    %run_scoped3A_75 = arith.constant 0 : i32
    "tpu.region"() ({
      %run_scoped3A_79 = tpu.sem_alloc : memref<!tpu.dma_semaphore, #tpu.memory_space<semaphore_mem>>
      %dma_start3A = tpu.memref_slice %arg4[%run_scoped3A_75, %mul3A_2] : memref<2x32768xi32, #tpu.memory_space<hbm>> -> memref<1x1024xi32, #tpu.memory_space<hbm>>
      %dma_start3A_80 = tpu.memref_squeeze %dma_start3A : memref<1x1024xi32, #tpu.memory_space<hbm>> -> memref<1024xi32, #tpu.memory_space<hbm>>
      %dma_start3A_81 = tpu.memref_slice %arg4[%run_scoped3A_75, %mul3A_2] : memref<2x32768xi32, #tpu.memory_space<hbm>> -> memref<1x1024xi32, #tpu.memory_space<hbm>>
      %dma_start3A_82 = tpu.memref_squeeze %dma_start3A_81 : memref<1x1024xi32, #tpu.memory_space<hbm>> -> memref<1024xi32, #tpu.memory_space<hbm>>
      tpu.enqueue_dma source(%arg9 : memref<1024xi32, #tpu.memory_space<vmem>>) target(%dma_start3A_82 : memref<1024xi32, #tpu.memory_space<hbm>>) target_semaphore(%run_scoped3A_79 : memref<!tpu.dma_semaphore, #tpu.memory_space<semaphore_mem>>)
      %dma_wait3A = tpu.memref_slice %arg4[%run_scoped3A_75, %mul3A_2] : memref<2x32768xi32, #tpu.memory_space<hbm>> -> memref<1x1024xi32, #tpu.memory_space<hbm>>
      %dma_wait3A_83 = tpu.memref_squeeze %dma_wait3A : memref<1x1024xi32, #tpu.memory_space<hbm>> -> memref<1024xi32, #tpu.memory_space<hbm>>
      %dma_wait3A_84 = tpu.memref_slice %arg4[%run_scoped3A_75, %mul3A_2] : memref<2x32768xi32, #tpu.memory_space<hbm>> -> memref<1x1024xi32, #tpu.memory_space<hbm>>
      %dma_wait3A_85 = tpu.memref_squeeze %dma_wait3A_84 : memref<1x1024xi32, #tpu.memory_space<hbm>> -> memref<1024xi32, #tpu.memory_space<hbm>>
      tpu.wait_dma2 semaphore(%run_scoped3A_79 : memref<!tpu.dma_semaphore, #tpu.memory_space<semaphore_mem>>) src(%arg9 : memref<1024xi32, #tpu.memory_space<vmem>>) dst(%dma_wait3A_85 : memref<1024xi32, #tpu.memory_space<hbm>>)
      tpu.yield
    }) : () -> ()
    %run_scoped3A_76 = arith.constant 1 : i32
    "tpu.region"() ({
      %run_scoped3A_79 = tpu.sem_alloc : memref<!tpu.dma_semaphore, #tpu.memory_space<semaphore_mem>>
      %dma_start3A = tpu.memref_slice %arg4[%run_scoped3A_76, %mul3A_2] : memref<2x32768xi32, #tpu.memory_space<hbm>> -> memref<1x1024xi32, #tpu.memory_space<hbm>>
      %dma_start3A_80 = tpu.memref_squeeze %dma_start3A : memref<1x1024xi32, #tpu.memory_space<hbm>> -> memref<1024xi32, #tpu.memory_space<hbm>>
      %dma_start3A_81 = tpu.memref_slice %arg4[%run_scoped3A_76, %mul3A_2] : memref<2x32768xi32, #tpu.memory_space<hbm>> -> memref<1x1024xi32, #tpu.memory_space<hbm>>
      %dma_start3A_82 = tpu.memref_squeeze %dma_start3A_81 : memref<1x1024xi32, #tpu.memory_space<hbm>> -> memref<1024xi32, #tpu.memory_space<hbm>>
      tpu.enqueue_dma source(%arg10 : memref<1024xi32, #tpu.memory_space<vmem>>) target(%dma_start3A_82 : memref<1024xi32, #tpu.memory_space<hbm>>) target_semaphore(%run_scoped3A_79 : memref<!tpu.dma_semaphore, #tpu.memory_space<semaphore_mem>>)
      %dma_wait3A = tpu.memref_slice %arg4[%run_scoped3A_76, %mul3A_2] : memref<2x32768xi32, #tpu.memory_space<hbm>> -> memref<1x1024xi32, #tpu.memory_space<hbm>>
      %dma_wait3A_83 = tpu.memref_squeeze %dma_wait3A : memref<1x1024xi32, #tpu.memory_space<hbm>> -> memref<1024xi32, #tpu.memory_space<hbm>>
      %dma_wait3A_84 = tpu.memref_slice %arg4[%run_scoped3A_76, %mul3A_2] : memref<2x32768xi32, #tpu.memory_space<hbm>> -> memref<1x1024xi32, #tpu.memory_space<hbm>>
      %dma_wait3A_85 = tpu.memref_squeeze %dma_wait3A_84 : memref<1x1024xi32, #tpu.memory_space<hbm>> -> memref<1024xi32, #tpu.memory_space<hbm>>
      tpu.wait_dma2 semaphore(%run_scoped3A_79 : memref<!tpu.dma_semaphore, #tpu.memory_space<semaphore_mem>>) src(%arg10 : memref<1024xi32, #tpu.memory_space<vmem>>) dst(%dma_wait3A_85 : memref<1024xi32, #tpu.memory_space<hbm>>)
      tpu.yield
    }) : () -> ()
    %run_scoped3A_77 = arith.constant 0 : i32
    "tpu.region"() ({
      %run_scoped3A_79 = tpu.sem_alloc : memref<!tpu.dma_semaphore, #tpu.memory_space<semaphore_mem>>
      %dma_start3A = arith.constant 0 : i32
      %dma_start3A_80 = tpu.memref_slice %arg5[%run_scoped3A_77, %add3A, %dma_start3A] : memref<2x32x128xf32, #tpu.memory_space<hbm>> -> memref<1x1x128xf32, #tpu.memory_space<hbm>>
      %dma_start3A_81 = tpu.memref_squeeze %dma_start3A_80 : memref<1x1x128xf32, #tpu.memory_space<hbm>> -> memref<128xf32, #tpu.memory_space<hbm>>
      %dma_start3A_82 = arith.constant 0 : i32
      %dma_start3A_83 = tpu.memref_slice %arg5[%run_scoped3A_77, %add3A, %dma_start3A_82] : memref<2x32x128xf32, #tpu.memory_space<hbm>> -> memref<1x1x128xf32, #tpu.memory_space<hbm>>
      %dma_start3A_84 = tpu.memref_squeeze %dma_start3A_83 : memref<1x1x128xf32, #tpu.memory_space<hbm>> -> memref<128xf32, #tpu.memory_space<hbm>>
      tpu.enqueue_dma source(%arg11 : memref<128xf32, #tpu.memory_space<vmem>>) target(%dma_start3A_84 : memref<128xf32, #tpu.memory_space<hbm>>) target_semaphore(%run_scoped3A_79 : memref<!tpu.dma_semaphore, #tpu.memory_space<semaphore_mem>>)
      %dma_wait3A = arith.constant 0 : i32
      %dma_wait3A_85 = tpu.memref_slice %arg5[%run_scoped3A_77, %add3A, %dma_wait3A] : memref<2x32x128xf32, #tpu.memory_space<hbm>> -> memref<1x1x128xf32, #tpu.memory_space<hbm>>
      %dma_wait3A_86 = tpu.memref_squeeze %dma_wait3A_85 : memref<1x1x128xf32, #tpu.memory_space<hbm>> -> memref<128xf32, #tpu.memory_space<hbm>>
      %dma_wait3A_87 = arith.constant 0 : i32
      %dma_wait3A_88 = tpu.memref_slice %arg5[%run_scoped3A_77, %add3A, %dma_wait3A_87] : memref<2x32x128xf32, #tpu.memory_space<hbm>> -> memref<1x1x128xf32, #tpu.memory_space<hbm>>
      %dma_wait3A_89 = tpu.memref_squeeze %dma_wait3A_88 : memref<1x1x128xf32, #tpu.memory_space<hbm>> -> memref<128xf32, #tpu.memory_space<hbm>>
      tpu.wait_dma2 semaphore(%run_scoped3A_79 : memref<!tpu.dma_semaphore, #tpu.memory_space<semaphore_mem>>) src(%arg11 : memref<128xf32, #tpu.memory_space<vmem>>) dst(%dma_wait3A_89 : memref<128xf32, #tpu.memory_space<hbm>>)
      tpu.yield
    }) : () -> ()
    %run_scoped3A_78 = arith.constant 1 : i32
    "tpu.region"() ({
      %run_scoped3A_79 = tpu.sem_alloc : memref<!tpu.dma_semaphore, #tpu.memory_space<semaphore_mem>>
      %dma_start3A = arith.constant 0 : i32
      %dma_start3A_80 = tpu.memref_slice %arg5[%run_scoped3A_78, %add3A, %dma_start3A] : memref<2x32x128xf32, #tpu.memory_space<hbm>> -> memref<1x1x128xf32, #tpu.memory_space<hbm>>
      %dma_start3A_81 = tpu.memref_squeeze %dma_start3A_80 : memref<1x1x128xf32, #tpu.memory_space<hbm>> -> memref<128xf32, #tpu.memory_space<hbm>>
      %dma_start3A_82 = arith.constant 0 : i32
      %dma_start3A_83 = tpu.memref_slice %arg5[%run_scoped3A_78, %add3A, %dma_start3A_82] : memref<2x32x128xf32, #tpu.memory_space<hbm>> -> memref<1x1x128xf32, #tpu.memory_space<hbm>>
      %dma_start3A_84 = tpu.memref_squeeze %dma_start3A_83 : memref<1x1x128xf32, #tpu.memory_space<hbm>> -> memref<128xf32, #tpu.memory_space<hbm>>
      tpu.enqueue_dma source(%arg12 : memref<128xf32, #tpu.memory_space<vmem>>) target(%dma_start3A_84 : memref<128xf32, #tpu.memory_space<hbm>>) target_semaphore(%run_scoped3A_79 : memref<!tpu.dma_semaphore, #tpu.memory_space<semaphore_mem>>)
      %dma_wait3A = arith.constant 0 : i32
      %dma_wait3A_85 = tpu.memref_slice %arg5[%run_scoped3A_78, %add3A, %dma_wait3A] : memref<2x32x128xf32, #tpu.memory_space<hbm>> -> memref<1x1x128xf32, #tpu.memory_space<hbm>>
      %dma_wait3A_86 = tpu.memref_squeeze %dma_wait3A_85 : memref<1x1x128xf32, #tpu.memory_space<hbm>> -> memref<128xf32, #tpu.memory_space<hbm>>
      %dma_wait3A_87 = arith.constant 0 : i32
      %dma_wait3A_88 = tpu.memref_slice %arg5[%run_scoped3A_78, %add3A, %dma_wait3A_87] : memref<2x32x128xf32, #tpu.memory_space<hbm>> -> memref<1x1x128xf32, #tpu.memory_space<hbm>>
      %dma_wait3A_89 = tpu.memref_squeeze %dma_wait3A_88 : memref<1x1x128xf32, #tpu.memory_space<hbm>> -> memref<128xf32, #tpu.memory_space<hbm>>
      tpu.wait_dma2 semaphore(%run_scoped3A_79 : memref<!tpu.dma_semaphore, #tpu.memory_space<semaphore_mem>>) src(%arg12 : memref<128xf32, #tpu.memory_space<vmem>>) dst(%dma_wait3A_89 : memref<128xf32, #tpu.memory_space<hbm>>)
      tpu.yield
    }) : () -> ()
    return
  }
}

module attributes {stable_mosaic.version = 14 : i64} {
  func.func @_loss_body(%arg0: memref<2x32x128xf32, #tpu.memory_space<vmem>>, %arg1: memref<1x1xf32, #tpu.memory_space<vmem>>) attributes {dimension_semantics = [], scalar_prefetch = 0 : i64, scratch_operands = 0 : i64, tpu.core_type = #tpu.core_type<tc>} {
    %get3A = arith.constant 0 : index
    %get3A_0 = arith.constant 0 : index
    %get3A_1 = arith.constant 0 : index
    %get3A_2 = vector.load %arg0[%get3A, %get3A_0, %get3A_1] : memref<2x32x128xf32, #tpu.memory_space<vmem>>, vector<1x32x128xf32>
    %get3A_3 = vector.shape_cast %get3A_2 : vector<1x32x128xf32> to vector<32x128xf32>
    %reduce_sum3A = arith.constant dense<0.000000e+00> : vector<128xf32>
    %reduce_sum3A_4 = vector.multi_reduction <add>, %get3A_3, %reduce_sum3A [0] : vector<32x128xf32> to vector<128xf32>
    %broadcast_in_dim3A = vector.shape_cast %reduce_sum3A_4 : vector<128xf32> to vector<1x128xf32>
    %get3A_5 = arith.constant 1 : index
    %get3A_6 = arith.constant 0 : index
    %get3A_7 = arith.constant 0 : index
    %get3A_8 = vector.load %arg0[%get3A_5, %get3A_6, %get3A_7] : memref<2x32x128xf32, #tpu.memory_space<vmem>>, vector<1x32x128xf32>
    %get3A_9 = vector.shape_cast %get3A_8 : vector<1x32x128xf32> to vector<32x128xf32>
    %reduce_sum3A_10 = arith.constant dense<0.000000e+00> : vector<128xf32>
    %reduce_sum3A_11 = vector.multi_reduction <add>, %get3A_9, %reduce_sum3A_10 [0] : vector<32x128xf32> to vector<128xf32>
    %broadcast_in_dim3A_12 = vector.shape_cast %reduce_sum3A_11 : vector<128xf32> to vector<1x128xf32>
    %iota3A = tpu.iota {dimensions = array<i32: 0>} : vector<128x128xi32>
    %jit3A = arith.constant 16 : i32
    %div3A = vector.broadcast %jit3A : i32 to vector<128x128xi32>
    %div3A_13 = arith.divsi %iota3A, %div3A : vector<128x128xi32>
    %sign3A = arith.constant 0 : i32
    %sign3A_14 = vector.broadcast %sign3A : i32 to vector<128x128xi32>
    %sign3A_15 = arith.cmpi sgt, %iota3A, %sign3A_14 : vector<128x128xi32>
    %sign3A_16 = arith.extui %sign3A_15 : vector<128x128xi1> to vector<128x128xi32>
    %sign3A_17 = arith.constant 0 : i32
    %sign3A_18 = vector.broadcast %sign3A_17 : i32 to vector<128x128xi32>
    %sign3A_19 = arith.cmpi slt, %iota3A, %sign3A_18 : vector<128x128xi32>
    %sign3A_20 = arith.extui %sign3A_19 : vector<128x128xi1> to vector<128x128xi32>
    %sign3A_21 = arith.subi %sign3A_16, %sign3A_20 : vector<128x128xi32>
    %sign3A_22 = arith.constant 0 : i32
    %sign3A_23 = arith.cmpi sgt, %jit3A, %sign3A_22 : i32
    %sign3A_24 = arith.extui %sign3A_23 : i1 to i32
    %sign3A_25 = arith.constant 0 : i32
    %sign3A_26 = arith.cmpi slt, %jit3A, %sign3A_25 : i32
    %sign3A_27 = arith.extui %sign3A_26 : i1 to i32
    %sign3A_28 = arith.subi %sign3A_24, %sign3A_27 : i32
    %ne3A = vector.broadcast %sign3A_28 : i32 to vector<128x128xi32>
    %ne3A_29 = arith.cmpi ne, %sign3A_21, %ne3A : vector<128x128xi32>
    %rem3A = vector.broadcast %jit3A : i32 to vector<128x128xi32>
    %rem3A_30 = arith.remsi %iota3A, %rem3A : vector<128x128xi32>
    %ne3A_31 = arith.constant 0 : i32
    %ne3A_32 = vector.broadcast %ne3A_31 : i32 to vector<128x128xi32>
    %ne3A_33 = arith.cmpi ne, %rem3A_30, %ne3A_32 : vector<128x128xi32>
    %and3A = arith.andi %ne3A_29, %ne3A_33 : vector<128x128xi1>
    %sub3A = arith.constant 1 : i32
    %sub3A_34 = vector.broadcast %sub3A : i32 to vector<128x128xi32>
    %sub3A_35 = arith.subi %div3A_13, %sub3A_34 : vector<128x128xi32>
    %select_n3A = arith.select %and3A, %sub3A_35, %div3A_13 : vector<128x128xi1>, vector<128x128xi32>
    %iota3A_36 = tpu.iota {dimensions = array<i32: 1>} : vector<128x128xi32>
    %jit3A_37 = arith.constant 16 : i32
    %div3A_38 = vector.broadcast %jit3A_37 : i32 to vector<128x128xi32>
    %div3A_39 = arith.divsi %iota3A_36, %div3A_38 : vector<128x128xi32>
    %sign3A_40 = arith.constant 0 : i32
    %sign3A_41 = vector.broadcast %sign3A_40 : i32 to vector<128x128xi32>
    %sign3A_42 = arith.cmpi sgt, %iota3A_36, %sign3A_41 : vector<128x128xi32>
    %sign3A_43 = arith.extui %sign3A_42 : vector<128x128xi1> to vector<128x128xi32>
    %sign3A_44 = arith.constant 0 : i32
    %sign3A_45 = vector.broadcast %sign3A_44 : i32 to vector<128x128xi32>
    %sign3A_46 = arith.cmpi slt, %iota3A_36, %sign3A_45 : vector<128x128xi32>
    %sign3A_47 = arith.extui %sign3A_46 : vector<128x128xi1> to vector<128x128xi32>
    %sign3A_48 = arith.subi %sign3A_43, %sign3A_47 : vector<128x128xi32>
    %sign3A_49 = arith.constant 0 : i32
    %sign3A_50 = arith.cmpi sgt, %jit3A_37, %sign3A_49 : i32
    %sign3A_51 = arith.extui %sign3A_50 : i1 to i32
    %sign3A_52 = arith.constant 0 : i32
    %sign3A_53 = arith.cmpi slt, %jit3A_37, %sign3A_52 : i32
    %sign3A_54 = arith.extui %sign3A_53 : i1 to i32
    %sign3A_55 = arith.subi %sign3A_51, %sign3A_54 : i32
    %ne3A_56 = vector.broadcast %sign3A_55 : i32 to vector<128x128xi32>
    %ne3A_57 = arith.cmpi ne, %sign3A_48, %ne3A_56 : vector<128x128xi32>
    %rem3A_58 = vector.broadcast %jit3A_37 : i32 to vector<128x128xi32>
    %rem3A_59 = arith.remsi %iota3A_36, %rem3A_58 : vector<128x128xi32>
    %ne3A_60 = arith.constant 0 : i32
    %ne3A_61 = vector.broadcast %ne3A_60 : i32 to vector<128x128xi32>
    %ne3A_62 = arith.cmpi ne, %rem3A_59, %ne3A_61 : vector<128x128xi32>
    %and3A_63 = arith.andi %ne3A_57, %ne3A_62 : vector<128x128xi1>
    %sub3A_64 = arith.constant 1 : i32
    %sub3A_65 = vector.broadcast %sub3A_64 : i32 to vector<128x128xi32>
    %sub3A_66 = arith.subi %div3A_39, %sub3A_65 : vector<128x128xi32>
    %select_n3A_67 = arith.select %and3A_63, %sub3A_66, %div3A_39 : vector<128x128xi1>, vector<128x128xi32>
    %eq3A = arith.cmpi eq, %select_n3A, %select_n3A_67 : vector<128x128xi32>
    %convert_element_type3A = arith.extui %eq3A : vector<128x128xi1> to vector<128x128xi32>
    %convert_element_type3A_68 = arith.sitofp %convert_element_type3A : vector<128x128xi32> to vector<128x128xf32>
    %dot_general3A = arith.constant dense<0.000000e+00> : vector<1x128xf32>
    %dot_general3A_69 = tpu.matmul %broadcast_in_dim3A_12, %convert_element_type3A_68, %dot_general3A {dimension_numbers = #tpu.dot_dimension_numbers<[1], [0], [0], [1], [0, 0, 1, 1], [], []>, transpose_lhs_hint = false} : vector<1x128xf32>, vector<128x128xf32>, vector<1x128xf32> -> vector<1x128xf32>
    %mul3A = arith.mulf %broadcast_in_dim3A, %dot_general3A_69 : vector<1x128xf32>
    %reduce_sum3A_70 = vector.shape_cast %mul3A : vector<1x128xf32> to vector<1x1x128xf32>
    %reduce_sum3A_71 = arith.constant dense<0.000000e+00> : vector<1xf32>
    %reduce_sum3A_72 = vector.multi_reduction <add>, %reduce_sum3A_70, %reduce_sum3A_71 [1, 2] : vector<1x1x128xf32> to vector<1xf32>
    %reduce_sum3A_73 = vector.shape_cast %reduce_sum3A_72 : vector<1xf32> to vector<1x1x1xf32>
    %reduce_sum3A_74 = vector.extract %reduce_sum3A_73[0, 0, 0] : f32 from vector<1x1x1xf32>
    %mul3A_75 = arith.constant 3.72529035E-10 : f32
    %mul3A_76 = arith.mulf %reduce_sum3A_74, %mul3A_75 : f32
    %reshape3A = vector.broadcast %mul3A_76 : f32 to vector<1x1xf32>
    %swap3A = arith.constant 0 : index
    %swap3A_77 = arith.constant 0 : index
    %swap3A_78 = vector.load %arg1[%swap3A, %swap3A_77] : memref<1x1xf32, #tpu.memory_space<vmem>>, vector<1x1xf32>
    tpu.vector_store %arg1[%swap3A, %swap3A_77], %reshape3A {strides = array<i32>} : memref<1x1xf32, #tpu.memory_space<vmem>>, vector<1x1xf32>,
    return
  }
}

module attributes {stable_mosaic.version = 14 : i64} {
  func.func @_logits_body(%arg0: i32, %arg1: memref<4096x768xf32, #tpu.memory_space<vmem>>, %arg2: memref<8x768xf32, #tpu.memory_space<vmem>>, %arg3: memref<8x4096xf32, #tpu.memory_space<vmem>>) attributes {dimension_semantics = [#tpu.dimension_semantics<arbitrary>], iteration_bounds = array<i64: 8>, scalar_prefetch = 0 : i64, scratch_operands = 0 : i64, tpu.core_type = #tpu.core_type<tc>, window_params = [{transform_indices = @transform_0, window_bounds = array<i64: 4096, 768>}, {pipeline_mode = #tpu.pipeline_mode<synchronous>, transform_indices = @transform_1, window_bounds = array<i64: 8, 768>}, {transform_indices = @transform_2, window_bounds = array<i64: 8, 4096>}]} {
    %get3A = arith.constant 0 : index
    %get3A_0 = arith.constant 0 : index
    %get3A_1 = vector.load %arg2[%get3A, %get3A_0] : memref<8x768xf32, #tpu.memory_space<vmem>>, vector<8x768xf32>
    %get3A_2 = arith.constant 0 : index
    %get3A_3 = arith.constant 0 : index
    %get3A_4 = vector.load %arg1[%get3A_2, %get3A_3] : memref<4096x768xf32, #tpu.memory_space<vmem>>, vector<4096x768xf32>
    %dot_general3A = arith.constant dense<0.000000e+00> : vector<8x4096xf32>
    %dot_general3A_5 = tpu.matmul %get3A_1, %get3A_4, %dot_general3A {dimension_numbers = #tpu.dot_dimension_numbers<[1], [1], [0], [0], [0, 0, 1, 0], [], []>, transpose_lhs_hint = false} : vector<8x768xf32>, vector<4096x768xf32>, vector<8x4096xf32> -> vector<8x4096xf32>
    %swap3A = arith.constant 0 : index
    %swap3A_6 = arith.constant 0 : index
    %swap3A_7 = vector.load %arg3[%swap3A, %swap3A_6] : memref<8x4096xf32, #tpu.memory_space<vmem>>, vector<8x4096xf32>
    tpu.vector_store %arg3[%swap3A, %swap3A_6], %dot_general3A_5 {strides = array<i32>} : memref<8x4096xf32, #tpu.memory_space<vmem>>, vector<8x4096xf32>,
    return
  }
  func.func @transform_0(%arg0: i32) -> (i32, i32) {
    %c0_i32 = arith.constant 0 : i32
    %c0_i32_0 = arith.constant 0 : i32
    return %arg0, %c0_i32 : i32, i32
  }
  func.func @transform_1(%arg0: i32) -> (i32, i32) {
    %c0_i32 = arith.constant 0 : i32
    %c0_i32_0 = arith.constant 0 : i32
    %c0_i32_1 = arith.constant 0 : i32
    return %c0_i32, %c0_i32_0 : i32, i32
  }
  func.func @transform_2(%arg0: i32) -> (i32, i32) {
    %c0_i32 = arith.constant 0 : i32
    %c0_i32_0 = arith.constant 0 : i32
    return %c0_i32, %arg0 : i32, i32
  }
}

</mosaic_0001>

<sc_bundles>
// kernel: _router.5.cloned.1.call-start
scs
__scs_entry_jumppad:
0x0: {  	(pc) =	sbr.rel $0x88, $3  }
0x1: {  	(tag) =	ssettag $0x0;
	lr =	simm.s32 $0x1  }
0x2: {  	[smem:$0x3F9F] =	sst lr;
	_ =	strace $0xD0000000  }
0x3: {  	_ = 	snop  }
0x4: {  	_ = 	snop  }
0x5: {  	_ = 	snop  }
0x6: {  	_ = 	snop  }
0x7: {  	_ = 	snop  }
__scs_overlays_trampoline_lowered:
0x8: {  	[smem:$0x3FAE] =	sst s0  }
0x9: {  	[smem:$0x3FAF] =	sst s1  }
0xa: {  	[smem:$0x3FB0] =	sst s2  }
0xb: {  	[smem:$0x3FB1] =	sst s3  }
0xc: {  	[smem:$0x3FB2] =	sst s4  }
0xd: {  	[smem:$0x3FB3] =	sst s5  }
0xe: {  	[smem:$0x3FB4] =	sst s6  }
0xf: {  	[smem:$0x3FB5] =	sst s7  }
0x10: {  	[smem:$0x3FB6] =	sst s8  }
0x11: {  	[smem:$0x3FB7] =	sst s9;
	s0 =	simm.s32 @!p0 $0x0  }
0x12: {  	s1 =	sld [smem:$0x3F9D];
	s0 =	simm.s32 @p0 $0x1  }
0x13: {  	[smem:$0x3FB8] =	sst s0;
	s0 =	simm.s32 @!p1 $0x0  }
0x14: {  	s2 =	sld [smem:$0x3F9C];
	s0 =	simm.s32 @p1 $0x1  }
0x15: {  	[smem:$0x3FB9] =	sst s0;
	s0 =	simm.s32 @!p2 $0x0  }
0x16: {  	s3 =	sld [smem:$0x3FDB];
	s0 =	simm.s32 @p2 $0x1  }
0x17: {  	s4 =	simm.s32 $0x1BF5;
	[smem:$0x3FBB] =	sst s0  }
0x18: {  	s0 =	sld [smem:$0x3F9E];
	_ =	swait.ge [sflag:s4], $0x0  }
0x19: {  	s7 =	sld [smem:$0x3F9F]  }
0x1a: {  	s8 =	sadd.s32 $0xFFFFE003, lr  }
0x1b: {  	s9 =	sadd.s32 $0xFFFFFEF7, lr;
	s5 =	simm.s32 $0xFFFFFFFF;
	p2 =	slt.u32 s8, $0xFFFFF086  }
0x1c: {  	p1 =	slt.u32 s9, $0xF7A;
	s5 =	simm.s32 @!p2 $0x0  }
0x1d: {  	s5 =	simm.s32 @p1 $0x1;
	p0 =	seq.s32 s7, s2  }
0x1e: {  	s7 =	smul.u32 @!p0 $0xF7A, s2;
	p2 =	seq.s32 @!p0 s5, $0x0  }
0x1f: {  	s9 =	smul.u32 $0xF7A, s1;
	s8 =	simm.s32 @!p0 $0x1BF5;
	p2 =	por !p2, p0  }
0x20: {  	[sflag:s8] =	ssyncset.s32 @!p0 $0xFFFFF086;
	s6 =	sadd.s32 @!p0 s3, s7;
	s7 =	simm.s32 @!p0 $0x108  }
0x21: {  	s3 =	sadd.s32 s3, s9;
	s6 =	sadd.s32 @!p0 $0x88, s6;
	s7 =	simm.s32 @p2 $0x1082  }
0x22: {  	[simem:s7], [sflag:s8] =	dma.local @!p0 [hbm:s6], $0xF7A  }
0x23: {  	s9 =	sor.u32 $0xD0000000, s2;
	s6 =	simm.s32 $0x108;
	_ =	swait.ge @!p0 [sflag:s8], $0x0  }
0x24: {  	s3 =	sadd.s32 $0x88, s3;
	s6 =	simm.s32 @!p1 $0x1082;
	[sflag:s4] =	ssyncset.s32 $0xFFFFF086  }
0x25: {  	[simem:s6], [sflag:s4] =	dma.local [hbm:s3], $0xF7A  }
0x26: {  	[smem:$0x3F9F] =	sst s1;
	(tag) =	ssettag s2;
	_ =	strace s9  }
0x27: {  	s1 =	sld [smem:$0x3FAF]  }
0x28: {  	s2 =	sld [smem:$0x3FB0]  }
0x29: {  	s4 =	sld [smem:$0x3FB2]  }
0x2a: {  	p0 =	seq.s32 s5, $0x0;
	s5 =	sld [smem:$0x3FB3]  }
0x2b: {  	s6 =	sld [smem:$0x3FB4]  }
0x2c: {  	s7 =	sld [smem:$0x3FB5]  }
0x2d: {  	s3 =	simm.s32 $0x108;
	s8 =	sld [smem:$0x3FB6]  }
0x2e: {  	s3 =	simm.s32 @!p0 $0x1082;
	s9 =	sld [smem:$0x3FB7]  }
0x2f: {  	lr =	sadd.s32 s0, s3;
	s0 =	sld [smem:$0x3FAE]  }
0x30: {  	s3 =	sld [smem:$0x3FB1]  }
0x31: {  	[smem:$0x3FBA] =	sst s10  }
0x32: {  	s10 =	sld [smem:$0x3FB8];
	_ =	sdelay $0x3  }
0x33: {  	p0 =	seq.s32 s10, $0x1;
	s10 =	sld [smem:$0x3FBA];
	_ =	sdelay $0x3  }
0x34: {  	[smem:$0x3FBA] =	sst s10  }
0x35: {  	s10 =	sld [smem:$0x3FB9];
	_ =	sdelay $0x3  }
0x36: {  	p1 =	seq.s32 s10, $0x1;
	s10 =	sld [smem:$0x3FBA];
	_ =	sdelay $0x3  }
0x37: {  	[smem:$0x3FBA] =	sst s10  }
0x38: {  	s10 =	sld [smem:$0x3FBB]  }
0x39: {  	_ = 	snop;
	(pc) =	sbr.ind lr, $3  }
0x3a: {  	_ = 	snop  }
0x3b: {  	_ = 	snop  }
0x3c: {  	p2 =	seq.s32 s10, $0x1;
	s10 =	sld [smem:$0x3FBA]  }
0x3d: {  	_ =	shalt  }
0x3e: {  	_ =	shalt  }
0x3f: {  	_ =	shalt  }
0x40: {  	_ =	shalt  }
0x41: {  	_ =	shalt  }
0x42: {  	_ =	shalt  }
0x43: {  	_ =	shalt  }
0x44: {  	_ =	shalt  }
0x45: {  	_ =	shalt  }
0x46: {  	_ =	shalt  }
0x47: {  	_ =	shalt  }
0x48: {  	_ =	shalt  }
0x49: {  	_ =	shalt  }
0x4a: {  	_ =	shalt  }
0x4b: {  	_ =	shalt  }
0x4c: {  	_ =	shalt  }
0x4d: {  	_ =	shalt  }
0x4e: {  	_ =	shalt  }
0x4f: {  	_ =	shalt  }
0x50: {  	_ =	shalt  }
0x51: {  	_ =	shalt  }
0x52: {  	_ =	shalt  }
0x53: {  	_ =	shalt  }
0x54: {  	_ =	shalt  }
0x55: {  	_ =	shalt  }
0x56: {  	_ =	shalt  }
0x57: {  	_ =	shalt  }
0x58: {  	_ =	shalt  }
0x59: {  	_ =	shalt  }
0x5a: {  	_ =	shalt  }
0x5b: {  	_ =	shalt  }
0x5c: {  	_ =	shalt  }
0x5d: {  	_ =	shalt  }
0x5e: {  	_ =	shalt  }
0x5f: {  	_ =	shalt  }
0x60: {  	_ =	shalt  }
0x61: {  	_ =	shalt  }
0x62: {  	_ =	shalt  }
0x63: {  	_ =	shalt  }
0x64: {  	_ =	shalt  }
0x65: {  	_ =	shalt  }
0x66: {  	_ =	shalt  }
0x67: {  	_ =	shalt  }
0x68: {  	_ =	shalt  }
0x69: {  	_ =	shalt  }
0x6a: {  	_ =	shalt  }
0x6b: {  	_ =	shalt  }
0x6c: {  	_ =	shalt  }
0x6d: {  	_ =	shalt  }
0x6e: {  	_ =	shalt  }
0x6f: {  	_ =	shalt  }
0x70: {  	_ =	shalt  }
0x71: {  	_ =	shalt  }
0x72: {  	_ =	shalt  }
0x73: {  	_ =	shalt  }
0x74: {  	_ =	shalt  }
0x75: {  	_ =	shalt  }
0x76: {  	_ =	shalt  }
0x77: {  	_ =	shalt  }
0x78: {  	_ =	shalt  }
0x79: {  	_ =	shalt  }
0x7a: {  	_ =	shalt  }
0x7b: {  	_ =	shalt  }
0x7c: {  	_ =	shalt  }
0x7d: {  	_ =	shalt  }
0x7e: {  	_ =	shalt  }
0x7f: {  	_ =	shalt  }
0x80: {  	_ =	shalt  }
0x81: {  	_ =	shalt  }
0x82: {  	_ =	shalt  }
0x83: {  	_ =	shalt  }
0x84: {  	_ =	shalt  }
0x85: {  	_ =	shalt  }
0x86: {  	_ =	shalt  }
0x87: {  	_ =	shalt  }
.Lfunc_end0:
.L_simem_size_0:
called_computation_lowered:
.L_overlay_start_0:
0x88: {  	s2 =	sld [smem:$0x3FD9]  }
0x89: {  	s3 =	sld [smem:$0x3FFE];
	_ =	sdelay $0x1  }
0x8a: {  	s1 =	srdreg.scid  }
0x8b: {  	s0 =	sand.u32 $0x1, s1  }
0x8c: {  	s14 =	sshll.u32 s0, $0xA;
	s2 =	sadd.s32 s3, s2  }
0x8d: {  	s2 =	sadd.s32 s2, s14  }
0x8e: {  	[smem:$0x3FC6] =	sst s2  }
0x8f: {  	_ = 	snop  }
0x90: {  	s2 =	sld [smem:$0x3FD0];
	_ =	sdelay $0x2  }
0x91: {  	s15 =	simm.s32 $0xA;
	s4 =	simm.s32 $0x10  }
0x92: {  	[smem:s4], [sflag:s15] =	dma.local [hbm:s2], $0x1  }
0x93: {  	_ =	swait.eq [sflag:s15], $0x1  }
0x94: {  	[sflag:s15] =	ssyncset.done $0x0  }
0x95: {  	s16 =	sld [smem:$0x10];
	[sflag:s15] =	ssyncadd.s32 $0xFFFFFFFF  }
0x96: {  	s17 =	sld [smem:$0x11];
	(tm) =	ssettm $0x1  }
0x97: {  	s18 =	sld [smem:$0x3FFB];
	_ =	sdelay $0x3  }
0x98: {  	_ =	strace s18  }
0x99: {  	s4 =	sld [smem:$0x3FFC];
	_ =	sdelay $0x3  }
0x9a: {  	_ =	strace s4  }
0x9b: {  	s4 =	sld [smem:$0x3FFD];
	_ =	sdelay $0x3  }
0x9c: {  	_ =	strace s4  }
0x9d: {  	_ =	strace $0x8FFFFFFF  }
0x9e: {  	s19 =	sld [smem:$0x3FDB];
	_ =	sdelay $0x1  }
0x9f: {  	s5 =	simm.s32 $_scs_section_size  }
0xa0: {  	s6 =	simm.s32 $_size__tile_overlayer_lowered;
	s7 =	simm.s32 $_tile_overlayer_lowered  }
0xa1: {  	s22 =	simm.s32 $0x1BFF;
	s21 =	sshll.u32 s7, $0x1;
	s4 =	sadd.s32 s5, s19  }
0xa2: {  	s8 =	simm.s32 $0x0;
	s20 =	sshll.u32 s6, $0x1;
	s6 =	sadd.s32 s21, s4  }
0xa3: {  	[timem:s8], [sflag:s22] =	dma.local [hbm:s6], s20  }
0xa4: {  	_ =	swait.ge [sflag:s22], s20  }
0xa5: {  	s5 =	ssub.s32 $0x0, s20;
	[sflag:s22] =	ssyncset.done $0x0  }
0xa6: {  	[sflag:s22] =	ssyncadd.s32 s5;
	_ =	sdelay $0x1  }
0xa7: {  	s23 =	simm.s32 $0x1B8B  }
0xa8: {  	_ =	swait.ge [sflag:s23], $0x1  }
0xa9: {  	[sflag:s23] =	ssyncset.done $0x0  }
0xaa: {  	s25 =	simm.s32 $0x1B8E;
	s24 =	sld [smem:$0x3FFE];
	[sflag:s23] =	ssyncadd.s32 $0xFFFFFFFF  }
0xab: {  	s26 =	simm.s32 $execute0_lowered;
	[smem:$0x3FD2] =	sst s25  }
0xac: {  	s6 =	sshll.u32 s26, $0x1;
	_ =	strace $0x80000046;
	[dreg:$0x1] =	wrdreg $0xFFFFFFFF  }
0xad: {  	s28 =	simm.s32 $_size_execute0_lowered;
	s4 =	sadd.s32 s4, s6;
	[dreg:$0x0] =	wrdreg $0x0  }
0xae: {  	s6 =	sshll.u32 s28, $0x1;
	[dreg:$0x2] =	wrdreg s4  }
0xaf: {  	[dreg:$0x3] =	wrdreg s6  }
0xb0: {  	[dreg:$0x4] =	wrdreg $0xC0  }
0xb1: {  	_ =	task [dreg:s8], $0x5FFFF  }
0xb2: {  	[dreg:$0x1] =	wrdreg $0xFFFFFFFF  }
0xb3: {  	[dreg:$0x0] =	wrdreg $0x60  }
0xb4: {  	[dreg:$0x2] =	wrdreg s24  }
0xb5: {  	[dreg:$0x3] =	wrdreg s16  }
0xb6: {  	[dreg:$0x4] =	wrdreg s17  }
0xb7: {  	[dreg:$0x5] =	wrdreg $0x9  }
0xb8: {  	_ =	task.clear_ibuf [dreg:s8], $0x6FFFF;
	_ =	strace $0x90000046  }
0xb9: {  	s29 =	simm.s32 $0x9;
	_ =	strace $0x80000048  }
0xba: {  	_ =	swait.ge [sflag:s29], $0x1  }
0xbb: {  	[sflag:s29] =	ssyncadd.s32 $0xFFFFFFFF  }
0xbc: {  	_ =	strace $0x90000048  }
0xbd: {  	_ =	sfence  }
0xbe: {  	s30 =	sld [smem:$0x0];
	_ =	sdelay $0x2  }
0xbf: {  	s31 =	sshll.u32 s1, $0xD;
	s1 =	sshrl.u32 s1, $0x2  }
0xc0: {  	s3 =	sand.u32 $0x4000, s31;
	s1 =	sadd.s32 s1, s30  }
0xc1: {  	s0 =	sor.u32 s3, s0;
	s1 =	sshll.u32 s1, $0x11  }
0xc2: {  	s0 =	sor.u32 s1, s0  }
0xc3: {  	s0 =	sadd.s32 $0x8F2B, s0  }
0xc4: {  	[sflag:s0] =	ssyncadd.remote.s32 $0x1  }
0xc5: {  	_ =	sfence.sel $0xFFFF  }
0xc6: {  	[dreg:$0x0] =	wrdreg $0xFFFFFFFF;
	(pc) =	sbr.abs _section_cstart, $3  }
0xc7: {  	[dreg:$0x1] =	wrdreg $0xFFFFFFFF  }
0xc8: {  	_ =	task.clear_ibuf [dreg:s8], $0x2FFFF;
	_ =	strace $0x9FFFFFFF  }
0xc9: {  	(tm) =	ssettm $0x7FFFFFFF  }
tec
execute0_lowered:
.L_overlay_start_1:
0x0: {  	(tag) =	ssettag $0x1  }
0x1: {  	s1 =	rddreg [dreg:$0x0]  }
0x2: {  	s5 =	rddreg [dreg:$0x1];
	s2 =	srdreg.scid  }
0x3: {  	s0 =	stileid.u32;
	s7 =	rddreg [dreg:$0x2]  }
0x4: {  	s12 =	simm.s32 $0x80;
	s13 =	simm.s32 $0x100;
	s14 =	simm.s32 $0x2000  }
0x5: {  	s15 =	simm.s32 $0x2400;
	s16 =	simm.s32 $0x2800;
	s17 =	simm.s32 $0x2C00  }
0x6: {  	s18 =	simm.s32 $0x3000;
	s19 =	simm.s32 $0x3080;
	s20 =	simm.s32 $0x0  }
0x7: {  	s3 =	sand.u32 $0x1, s2;
	s4 =	sshll.u32 s0, $0x1;
	s2 =	simm.s32 $0x0  }
0x8: {  	s4 =	sor.u32 s3, s4;
	[smem:$0x7FF] =	sst s2;
	s3 =	ssub.s32 $0x2, s3  }
0x9: {  	s6 =	sshll.u32 s4, $0xA;
	_ =	strace $0x80000047;
	s8 =	sshll.u32 s4, $0x4  }
0xa: {  	s9 =	sshrl.u32 s3, $0x1;
	s10 =	sshll.u32 s4, $0x8;
	s6 =	sadd.s32 s6, s1  }
0xb: {  	s1 =	sadd.s32 s8, s1;
	s11 =	ssub.s32 s3, s9;
	s31 =	sor.u32 $0x10, s10  }
0xc: {  	s4 =	sadd.s32 s5, s10;
	s3 =	sadd.s32 $0xE00, s6;
	s5 =	sadd.s32 s5, s31  }
0xd: {  	s6 =	sadd.s32 s7, s10;
	s7 =	sadd.s32 s7, s31;
	s8 =	sadd.s32 $0x8E00, s1  }
0xe: {  	v0 =	vimm.s32 $0x0;
	v1 =	vimm.f32 $0.0e+00;
	v2 =	vimm.f32 $1.000000000e+00;
	s9 =	sadd.s32 $0x9000, s1;
	s10 =	smax.u32 s11, $0x1;
	s11 =	simm.s32 $0x1  }
.LBB2_1:
0xf: {  	[tilespmem:s2], [sflag:$0x1] =	stream.linear.gather [hbm4b:s3+s2], $0x2000, $0x38;
	[tilespmem:$0x3100] =	vst v63  }
0x10: {  	_ =	swait.ge [sflag:s11], $0x2000  }
0x11: {  	s1 =	sand.u32 $0x70, s2;
	s21 =	sand.u32 $0x1C00, s2;
	[sflag:s11] =	ssyncset.done $0x0  }
0x12: {  	s1 =	sor.u32 s1, s21;
	[sflag:s11] =	ssyncadd.s32 $0xFFFFE000  }
0x13: {  	v3 =	vld [tilespmem:s1+$0x0]  }
0x14: {  	v4 =	vld [tilespmem:s1+$0x80]  }
0x15: {  	v5 =	vld [tilespmem:s1+$0x100]  }
0x16: {  	v6 =	vld [tilespmem:s1+$0x180]  }
0x17: {  	v7 =	vld [tilespmem:s1+$0x200]  }
0x18: {  	v8 =	vld [tilespmem:s1+$0x280]  }
0x19: {  	v9 =	vld [tilespmem:s1+$0x300];
	v10 =	vmax.f32 v3, v4  }
0x1a: {  	v11 =	vld [tilespmem:s1+$0x380];
	v10 =	vmax.f32 v10, v5  }
0x1b: {  	v10 =	vmax.f32 v10, v6  }
0x1c: {  	v10 =	vmax.f32 v10, v7  }
0x1d: {  	v10 =	vmax.f32 v10, v8  }
0x1e: {  	v10 =	vmax.f32 v10, v9  }
0x1f: {  	v10 =	vmax.f32 v10, v11  }
0x20: {  	v3 =	vsub.f32 v3, v10  }
0x21: {  	v4 =	vsub.f32 v4, v10  }
0x22: {  	v3 =	vmul.f32 $1.442695020e+00, v3  }
0x23: {  	v5 =	vsub.f32 v5, v10;
	v4 =	vmul.f32 $1.442695020e+00, v4  }
0x24: {  	(erf) = vpow2.f32 v3  }
0x25: {  	v3 =	vmul.f32 $1.442695020e+00, v5;
	v5 =	vsub.f32 v6, v10;
	(erf) = vpow2.f32 v4;
	_ =	sdelay $0x1  }
0x26: {  	v4 =	vsub.f32 v7, v10;
	(erf) = vpow2.f32 v3;
	v3 =	vmul.f32 $1.442695020e+00, v5  }
0x27: {  	v5 =	vsub.f32 v8, v10  }
0x28: {  	v4 =	vmul.f32 $1.442695020e+00, v4;
	(erf) = vpow2.f32 v3  }
0x29: {  	v5 =	vmul.f32 $1.442695020e+00, v5  }
0x2a: {  	v3 =	vsub.f32 v9, v10;
	(erf) = vpow2.f32 v4  }
0x2b: {  	v4 =	vsub.f32 v11, v10  }
0x2c: {  	v3 =	vmul.f32 $1.442695020e+00, v3;
	v6 =	vpop (erf);
	(erf) = vpow2.f32 v5  }
0x2d: {  	v4 =	vmul.f32 $1.442695020e+00, v4;
	v5 =	vpop (erf)  }
0x2e: {  	(erf) = vpow2.f32 v3;
	v3 =	vadd.f32 v5, v6  }
0x2f: {  	v7 =	vpop (erf)  }
0x30: {  	(erf) = vpow2.f32 v4;
	v3 =	vadd.f32 v3, v7  }
0x31: {  	v4 =	vpop (erf)  }
0x32: {  	v3 =	vadd.f32 v3, v4  }
0x33: {  	v22 =	vpop (erf)  }
0x34: {  	v3 =	vadd.f32 v3, v22  }
0x35: {  	v24 =	vpop (erf)  }
0x36: {  	v3 =	vadd.f32 v3, v24  }
0x37: {  	v8 =	vpop (erf)  }
0x38: {  	v3 =	vadd.f32 v3, v8  }
0x39: {  	v9 =	vpop (erf)  }
0x3a: {  	v3 =	vadd.f32 v3, v9;
	_ =	sdelay $0x1  }
0x3b: {  	(erf) = vrcp.f32 v3;
	_ =	sdelay $0x7  }
0x3c: {  	v16 =	vimm.f32 $0.0e+00;
	v12 =	vimm.f32 $0.0e+00  }
0x3d: {  	v19 =	vimm.f32 $0.0e+00;
	v14 =	vimm.f32 $0.0e+00;
	v13 =	vimm.f32 $0.0e+00;
	v25 =	vpop (erf)  }
0x3e: {  	v17 =	vimm.f32 $0.0e+00;
	v3 =	vmul.f32 v25, v6;
	v5 =	vmul.f32 v25, v5  }
0x3f: {  	v15 =	vimm.f32 $0.0e+00;
	v10 =	vmul.f32 v25, v7;
	v20 =	vmul.f32 v25, v8  }
0x40: {  	v18 =	vmul.f32 v25, v4;
	v21 =	vmul.f32 v25, v9;
	v9 =	vimm.f32 $0.0e+00  }
0x41: {  	vm1 =	vgt.f32 v5, v3;
	vm0 =	vgt.f32 v5, $-1.000000000e+00;
	v7 =	vadd.f32 v3, v1  }
0x42: {  	v6 =	vadd.f32 v5, v1;
	vm2 =	vmneg vm1;
	v8 =	vnsel vm0, $0xBF800000, v5  }
0x43: {  	v29 =	vsel vm1, $0x1, v0;
	vm0 =	vmand vm2, vm0;
	v8 =	vsel vm2, v8, v3  }
0x44: {  	v3 =	vsel vm2, v3, v5;
	v5 =	vadd.f32 v10, v1;
	vm2 =	vgt.f32 v10, v8  }
0x45: {  	s25 =	simm.s32 $0x10;
	v11 =	vsel vm0, $0x1, v0;
	vm0 =	vgt.f32 v10, v3;
	v4 =	vsel vm2, v10, v8  }
0x46: {  	s26 =	simm.s32 $0x2810;
	s28 =	simm.s32 $0x2C10;
	s29 =	simm.s32 $0x0;
	v27 =	vsel vm2, $0x2, v11;
	v26 =	vsel vm0, v10, v3;
	v10 =	vimm.f32 $0.0e+00  }
0x47: {  	s30 =	simm.s32 $0x2000;
	s31 =	simm.s32 $0x2400;
	s23 =	simm.s32 $0x2000;
	v8 =	vimm.f32 $0.0e+00;
	v11 =	vimm.f32 $0.0e+00;
	v28 =	vsel vm0, v3, v4  }
0x48: {  	s24 =	simm.s32 $0x2400;
	s22 =	simm.s32 $0x2800;
	s21 =	simm.s32 $0x2C00;
	v3 =	vimm.f32 $0.0e+00;
	v4 =	vimm.f32 $0.0e+00;
	vm1 =	vgt.f32 v18, v28  }
.LBB2_2:
0x49: {  	v23 =	vmul.f32 v25, v22;
	v22 =	vmul.f32 v25, v24;
	v24 =	vsel vm0, $0x2, v29;
	s29 =	sadd.s32 $0x80, s29;
	s30 =	sadd.s32 $0x10, s30;
	s31 =	sadd.s32 $0x10, s31  }
0x4a: {  	p0 =	sne.s32 s25, $0x3F0;
	v25 =	vsel vm0, v29, v27;
	vm0 =	vgt.f32 v18, v26;
	v27 =	vsel vm1, v18, v28;
	s1 =	smov.u32 s25;
	s25 =	sadd.s32 $0x10, s25  }
0x4b: {  	v25 =	vsel vm1, $0x3, v25;
	v27 =	vsel vm0, v26, v27;
	v26 =	vsel vm0, v18, v26  }
0x4c: {  	v25 =	vsel vm0, v24, v25;
	v24 =	vsel vm0, $0x3, v24;
	vm0 =	vgt.f32 v23, v27  }
0x4d: {  	vm1 =	vgt.f32 v23, v26;
	v25 =	vsel vm0, $0x4, v25;
	v27 =	vsel vm0, v23, v27  }
0x4e: {  	s1 =	sand.u32 $0x70, s1;
	s0 =	sand.u32 $0x1C00, s29;
	v3 =	vadd.f32 v21, v3;
	v25 =	vsel vm1, v24, v25;
	v27 =	vsel vm1, v26, v27  }
0x4f: {  	s1 =	sor.u32 s1, s0;
	v24 =	vsel vm1, $0x4, v24;
	v26 =	vsel vm1, v23, v26;
	vm0 =	vgt.f32 v22, v27  }
0x50: {  	vm1 =	vgt.f32 v22, v26;
	v25 =	vsel vm0, $0x5, v25;
	v27 =	vsel vm0, v22, v27  }
0x51: {  	v25 =	vsel vm1, v24, v25;
	v27 =	vsel vm1, v26, v27;
	v26 =	vsel vm1, v22, v26  }
0x52: {  	v24 =	vsel vm1, $0x5, v24;
	vm0 =	vgt.f32 v20, v26;
	vm1 =	vgt.f32 v20, v27  }
0x53: {  	v4 =	vadd.f32 v20, v4;
	v27 =	vsel vm1, v20, v27;
	v28 =	vsel vm0, v20, v26  }
0x54: {  	v20 =	vsel vm1, $0x6, v25;
	v25 =	vsel vm0, v26, v27;
	vm1 =	vgt.f32 v21, v28  }
0x55: {  	v20 =	vsel vm0, v24, v20;
	vm1 =	vmneg vm1;
	vm2 =	vgt.f32 v21, v25  }
0x56: {  	v20 =	vsel vm2, $0x7, v20;
	v25 =	vsel vm2, v21, v25;
	v21 =	vsel vm1, v28, v21  }
0x57: {  	v24 =	vsel vm0, $0x6, v24;
	vm0 =	vmand vm0, vm1;
	v25 =	vsel vm1, v25, v28;
	[tilespmem:s23+$0x0] =	vst v21;
	s23 =	smov.u32 s30  }
0x58: {  	v26 =	vsel vm1, $0x0, v2;
	v21 =	vnsel vm1, $0x7, v24;
	[tilespmem:s24+$0x0] =	vst v25;
	v25 =	vsel vm0, $0x3F800000, v1;
	s24 =	smov.u32 s31  }
0x59: {  	v20 =	vsel vm1, v20, v24;
	vm0 =	veq.s32 v21, $0x1;
	vm1 =	veq.s32 v21, $0x4;
	[tilespmem:s22+$0x0] =	vst v21;
	s22 =	smov.u32 s26  }
0x5a: {  	vm2 =	veq.s32 v21, $0x3;
	v24 =	vsel vm1, $0x3F800000, v1;
	vm1 =	veq.s32 v21, $0x5;
	[tilespmem:s21+$0x0] =	vst v20;
	s21 =	smov.u32 s28  }
0x5b: {  	v12 =	vadd.f32 v26, v12;
	vm3 =	veq.s32 v21, $0x0;
	v16 =	vadd.f32 v24, v16;
	v27 =	vld [tilespmem:s1+$0x180]  }
0x5c: {  	v26 =	vsel vm3, $0x3F800000, v1;
	v28 =	vsel vm1, $0x3F800000, v1;
	vm1 =	veq.s32 v20, $0x5;
	v24 =	vld [tilespmem:s1+$0x100]  }
0x5d: {  	v19 =	vadd.f32 v26, v19;
	v26 =	vsel vm2, $0x3F800000, v1;
	v30 =	vsel vm1, $0x3F800000, v1;
	v29 =	vld [tilespmem:s1+$0x0]  }
0x5e: {  	v14 =	vadd.f32 v26, v14;
	vm1 =	veq.s32 v20, $0x3;
	v13 =	vadd.f32 v28, v13;
	v31 =	vld [tilespmem:s1+$0x80]  }
0x5f: {  	v28 =	vsel vm0, $0x3F800000, v1;
	vm0 =	veq.s32 v21, $0x2;
	v21 =	vsel vm1, $0x3F800000, v1;
	v26 =	vld [tilespmem:s1+$0x380]  }
0x60: {  	v17 =	vadd.f32 v28, v17;
	v28 =	vsel vm0, $0x3F800000, v1;
	v14 =	vadd.f32 v21, v14;
	v32 =	vld [tilespmem:s1+$0x200]  }
0x61: {  	vm0 =	veq.s32 v20, $0x2;
	vm1 =	veq.s32 v20, $0x6;
	v15 =	vadd.f32 v28, v15;
	v21 =	vld [tilespmem:s1+$0x300]  }
0x62: {  	v33 =	vsel vm0, $0x3F800000, v1;
	v34 =	vsel vm1, $0x3F800000, v1;
	vm0 =	veq.s32 v20, $0x7;
	v28 =	vld [tilespmem:s1+$0x280]  }
0x63: {  	vm1 =	veq.s32 v20, $0x1;
	v15 =	vadd.f32 v33, v15;
	v35 =	vmax.f32 v29, v31  }
0x64: {  	v13 =	vadd.f32 v30, v13;
	v30 =	vsel vm0, $0x3F800000, v1;
	v33 =	vmax.f32 v35, v24  }
0x65: {  	v12 =	vadd.f32 v30, v12;
	v35 =	vsel vm1, $0x3F800000, v1;
	v33 =	vmax.f32 v33, v27  }
0x66: {  	v10 =	vadd.f32 v23, v10;
	v17 =	vadd.f32 v35, v17;
	v30 =	vmax.f32 v33, v32  }
0x67: {  	v8 =	vadd.f32 v22, v8;
	vm0 =	veq.s32 v20, $0x4;
	v23 =	vmax.f32 v30, v28  }
0x68: {  	v11 =	vadd.f32 v18, v11;
	v18 =	vsel vm0, $0x3F800000, v1;
	v22 =	vmax.f32 v23, v21  }
0x69: {  	v9 =	vadd.f32 v25, v9;
	v16 =	vadd.f32 v18, v16;
	v22 =	vmax.f32 v22, v26  }
0x6a: {  	v18 =	vsub.f32 v29, v22;
	v23 =	vsub.f32 v31, v22  }
0x6b: {  	v9 =	vadd.f32 v34, v9;
	v24 =	vsub.f32 v24, v22  }
0x6c: {  	vm0 =	veq.s32 v20, $0x0;
	v21 =	vsub.f32 v21, v22;
	v18 =	vmul.f32 $1.442695020e+00, v18  }
0x6d: {  	v25 =	vsel vm0, $0x3F800000, v1;
	v20 =	vmul.f32 $1.442695020e+00, v23;
	v23 =	vsub.f32 v28, v22  }
0x6e: {  	v19 =	vadd.f32 v25, v19;
	v26 =	vsub.f32 v26, v22;
	(erf) = vpow2.f32 v18  }
0x6f: {  	v18 =	vmul.f32 $1.442695020e+00, v24;
	v24 =	vsub.f32 v27, v22;
	v22 =	vsub.f32 v32, v22  }
0x70: {  	v23 =	vmul.f32 $1.442695020e+00, v23;
	(erf) = vpow2.f32 v20  }
0x71: {  	v20 =	vmul.f32 $1.442695020e+00, v26;
	(erf) = vpow2.f32 v18  }
0x72: {  	v18 =	vmul.f32 $1.442695020e+00, v24  }
0x73: {  	v22 =	vmul.f32 $1.442695020e+00, v22  }
0x74: {  	(erf) = vpow2.f32 v18  }
0x75: {  	(erf) = vpow2.f32 v22;
	_ =	sdelay $0x1  }
0x76: {  	v18 =	vmul.f32 $1.442695020e+00, v21;
	v21 =	vpop (erf);
	(erf) = vpow2.f32 v23;
	_ =	sdelay $0x1  }
0x77: {  	v23 =	vpop (erf);
	(erf) = vpow2.f32 v18  }
0x78: {  	v18 =	vadd.f32 v23, v21;
	v26 =	vpop (erf)  }
0x79: {  	(erf) = vpow2.f32 v20  }
0x7a: {  	v18 =	vadd.f32 v18, v26  }
0x7b: {  	v27 =	vpop (erf)  }
0x7c: {  	v18 =	vadd.f32 v18, v27;
	v22 =	vpop (erf);
	_ =	sdelay $0x1  }
0x7d: {  	v18 =	vadd.f32 v18, v22;
	v24 =	vpop (erf);
	_ =	sdelay $0x1  }
0x7e: {  	v18 =	vadd.f32 v18, v24;
	v20 =	vpop (erf);
	_ =	sdelay $0x1  }
0x7f: {  	v18 =	vadd.f32 v18, v20;
	v29 =	vpop (erf);
	_ =	sdelay $0x1  }
0x80: {  	v18 =	vadd.f32 v18, v29;
	_ =	sdelay $0x1  }
0x81: {  	(erf) = vrcp.f32 v18;
	_ =	sdelay $0x8  }
0x82: {  	v25 =	vpop (erf)  }
0x83: {  	v18 =	vmul.f32 v25, v21;
	v21 =	vmul.f32 v25, v23  }
0x84: {  	v23 =	vmul.f32 v25, v26;
	v20 =	vmul.f32 v25, v20  }
0x85: {  	vm1 =	vgt.f32 v21, v18;
	vm0 =	vgt.f32 v21, $-1.000000000e+00;
	v7 =	vadd.f32 v18, v7  }
0x86: {  	v6 =	vadd.f32 v21, v6;
	vm2 =	vmneg vm1;
	v26 =	vnsel vm0, $0xBF800000, v21  }
.Ltmp0:
0x87: {  	vm0 =	vmand vm2, vm0;
	v26 =	vsel vm2, v26, v18;
	v21 =	vsel vm2, v18, v21;
	(pc) =	sbr.rel @p0 .LBB2_2-.Ltmp0, $4  }
0x88: {  	v5 =	vadd.f32 v23, v5;
	v28 =	vsel vm0, $0x1, v0;
	vm2 =	vgt.f32 v23, v26  }
0x89: {  	v18 =	vmul.f32 v25, v27;
	vm0 =	vgt.f32 v23, v21;
	v26 =	vsel vm2, v23, v26  }
0x8a: {  	v27 =	vsel vm2, $0x2, v28;
	v28 =	vsel vm0, v21, v26;
	v26 =	vsel vm0, v23, v21  }
0x8b: {  	s26 =	sadd.s32 $0x10, s26;
	s28 =	sadd.s32 $0x10, s28;
	v21 =	vmul.f32 v25, v29;
	v29 =	vsel vm1, $0x1, v0;
	vm1 =	vgt.f32 v18, v28  }
0x8c: {  	v22 =	vmul.f32 v25, v22;
	vm2 =	vgt.f32 v18, v26;
	v23 =	vsel vm1, v18, v28  }
0x8d: {  	v24 =	vmul.f32 v25, v24;
	v39 =	vsel vm0, $0x2, v29;
	v27 =	vsel vm0, v29, v27  }
0x8e: {  	v11 =	vadd.f32 v18, v11;
	v4 =	vadd.f32 v20, v4;
	v23 =	vsel vm2, v26, v23  }
0x8f: {  	v40 =	vsel vm2, v18, v26;
	v27 =	vsel vm1, $0x3, v27;
	v25 =	vsel vm2, $0x3, v39  }
0x90: {  	v3 =	vadd.f32 v21, v3;
	vm5 =	vgt.f32 v22, v23;
	vm6 =	vgt.f32 v22, v40  }
0x91: {  	v27 =	vsel vm2, v39, v27;
	v10 =	vadd.f32 v22, v10;
	v23 =	vsel vm5, v22, v23  }
0x92: {  	v8 =	vadd.f32 v24, v8;
	v27 =	vsel vm5, $0x4, v27;
	v23 =	vsel vm6, v40, v23  }
0x93: {  	v26 =	vsel vm6, v22, v40;
	v27 =	vsel vm6, v25, v27;
	vm7 =	vgt.f32 v24, v23  }
0x94: {  	vm8 =	vgt.f32 v24, v26;
	v25 =	vsel vm6, $0x4, v25;
	v23 =	vsel vm7, v24, v23  }
0x95: {  	v27 =	vsel vm7, $0x5, v27;
	v23 =	vsel vm8, v26, v23;
	v26 =	vsel vm8, v24, v26  }
0x96: {  	v27 =	vsel vm8, v25, v27;
	vm9 =	vgt.f32 v20, v23;
	vm10 =	vgt.f32 v20, v26  }
0x97: {  	v25 =	vsel vm8, $0x5, v25;
	v23 =	vsel vm9, v20, v23;
	v41 =	vsel vm10, v20, v26  }
0x98: {  	v27 =	vsel vm9, $0x6, v27;
	v23 =	vsel vm10, v26, v23;
	vm11 =	vgt.f32 v21, v41  }
0x99: {  	v42 =	vsel vm10, v25, v27;
	vm12 =	vgt.f32 v21, v23;
	vm0 =	vmneg vm11  }
0x9a: {  	v25 =	vsel vm10, $0x6, v25;
	v23 =	vsel vm12, v21, v23;
	v28 =	vsel vm0, v41, v21  }
0x9b: {  	v26 =	vsel vm12, $0x7, v42;
	v43 =	vnsel vm0, $0x7, v25;
	v23 =	vsel vm0, v23, v41;
	[tilespmem:s23+$0x0] =	vst v28  }
0x9c: {  	vm1 =	vmand vm10, vm0;
	v60 =	vsel vm0, $0x0, v2;
	v25 =	vsel vm0, v26, v25;
	[tilespmem:s24+$0x0] =	vst v23  }
0x9d: {  	vm13 =	veq.s32 v43, $0x0;
	vm3 =	veq.s32 v43, $0x1;
	vm14 =	veq.s32 v43, $0x4;
	[tilespmem:s22+$0x0] =	vst v43  }
0x9e: {  	vm6 =	veq.s32 v43, $0x2;
	vm8 =	veq.s32 v43, $0x3;
	vm11 =	veq.s32 v43, $0x5;
	[tilespmem:s21+$0x0] =	vst v25  }
0x9f: {  	v58 =	vsel vm1, $0x3F800000, v1;
	v44 =	vsel vm13, $0x3F800000, v1;
	v45 =	vsel vm3, $0x3F800000, v1;
	[tilespmem:$0x3000] =	vst v7  }
0xa0: {  	vm15 =	veq.s32 v25, $0x0;
	v46 =	vsel vm14, $0x3F800000, v1;
	vm7 =	veq.s32 v25, $0x1;
	[tilespmem:$0x3010] =	vst v6  }
0xa1: {  	v48 =	vsel vm6, $0x3F800000, v1;
	vm9 =	veq.s32 v25, $0x2;
	v50 =	vsel vm8, $0x3F800000, v1;
	[tilespmem:$0x3020] =	vst v5  }
0xa2: {  	vm10 =	veq.s32 v25, $0x3;
	vm12 =	veq.s32 v25, $0x4;
	v56 =	vsel vm11, $0x3F800000, v1;
	[tilespmem:$0x3030] =	vst v11  }
0xa3: {  	vm13 =	veq.s32 v25, $0x5;
	vm14 =	veq.s32 v25, $0x6;
	v19 =	vadd.f32 v44, v19;
	[tilespmem:$0x3040] =	vst v10  }
0xa4: {  	v17 =	vadd.f32 v45, v17;
	v47 =	vsel vm15, $0x3F800000, v1;
	v15 =	vadd.f32 v48, v15;
	[tilespmem:$0x3050] =	vst v8  }
0xa5: {  	v49 =	vsel vm7, $0x3F800000, v1;
	v52 =	vadd.f32 v50, v14;
	v19 =	vadd.f32 v47, v19;
	[tilespmem:$0x3060] =	vst v4  }
0xa6: {  	v54 =	vsel vm10, $0x3F800000, v1;
	v55 =	vadd.f32 v46, v16;
	v7 =	vadd.f32 v49, v17;
	[tilespmem:$0x3070] =	vst v3  }
0xa7: {  	v51 =	vsel vm9, $0x3F800000, v1;
	v57 =	vsel vm12, $0x3F800000, v1;
	v6 =	vadd.f32 v54, v52;
	[tilespmem:$0x3080] =	vst v19  }
0xa8: {  	v59 =	vsel vm13, $0x3F800000, v1;
	v5 =	vadd.f32 v57, v55;
	[tilespmem:$0x3090] =	vst v7;
	v7 =	vadd.f32 v56, v13  }
0xa9: {  	v61 =	vsel vm14, $0x3F800000, v1;
	v53 =	vadd.f32 v51, v15;
	[tilespmem:$0x30B0] =	vst v6;
	v6 =	vadd.f32 v58, v9  }
0xaa: {  	vm15 =	veq.s32 v25, $0x7;
	[tilespmem:$0x30C0] =	vst v5;
	v5 =	vadd.f32 v60, v12;
	v7 =	vadd.f32 v59, v7  }
0xab: {  	v62 =	vsel vm15, $0x3F800000, v1;
	[tilespmem:$0x30A0] =	vst v53;
	v6 =	vadd.f32 v61, v6  }
0xac: {  	v63 =	vadd.f32 v62, v5;
	[tilespmem:$0x30D0] =	vst v7  }
0xad: {  	[tilespmem:$0x30E0] =	vst v6  }
0xae: {  	[tilespmem:$0x30F0] =	vst v63  }
0xaf: {  	[hbm4b:s4+s12] =	stream.strided.scatter [tilespmem:s14], [sflag:$0x1], $0x400, s13, s12, $0x38;
	[tilespmem:$0x3100] =	vst v63  }
0xb0: {  	_ =	swait.ge [sflag:s11], $0x400  }
0xb1: {  	[sflag:s11] =	ssyncset.done $0x0  }
0xb2: {  	[sflag:s11] =	ssyncadd.s32 $0xFFFFFC00  }
0xb3: {  	[hbm4b:s5+s12] =	stream.strided.scatter [tilespmem:s15], [sflag:$0x1], $0x400, s13, s12, $0x38;
	[tilespmem:$0x3100] =	vst v63  }
0xb4: {  	_ =	swait.ge [sflag:s11], $0x400  }
0xb5: {  	[sflag:s11] =	ssyncset.done $0x0  }
0xb6: {  	[sflag:s11] =	ssyncadd.s32 $0xFFFFFC00  }
0xb7: {  	[hbm4b:s6+s12] =	stream.strided.scatter [tilespmem:s16], [sflag:$0x1], $0x400, s13, s12, $0x38;
	[tilespmem:$0x3100] =	vst v63  }
0xb8: {  	_ =	swait.ge [sflag:s11], $0x400  }
0xb9: {  	[sflag:s11] =	ssyncset.done $0x0  }
0xba: {  	[sflag:s11] =	ssyncadd.s32 $0xFFFFFC00  }
0xbb: {  	[hbm4b:s7+s12] =	stream.strided.scatter [tilespmem:s17], [sflag:$0x1], $0x400, s13, s12, $0x38;
	[tilespmem:$0x3100] =	vst v63  }
0xbc: {  	_ =	swait.ge [sflag:s11], $0x400  }
0xbd: {  	[sflag:s11] =	ssyncset.done $0x0  }
0xbe: {  	[sflag:s11] =	ssyncadd.s32 $0xFFFFFC00  }
0xbf: {  	[hbm4b:s8+s2] =	stream.linear.scatter [tilespmem:s18], [sflag:$0x1], $0x80, $0x38;
	[tilespmem:$0x3100] =	vst v63  }
0xc0: {  	s20 =	sadd.s32 $0x1, s20;
	_ =	swait.ge [sflag:s11], $0x80  }
0xc1: {  	p0 =	sne.s32 s20, s10;
	[sflag:s11] =	ssyncset.done $0x0  }
.Ltmp1:
0xc2: {  	[sflag:s11] =	ssyncadd.s32 $0xFFFFFF80;
	(pc) =	sbr.rel @p0 .LBB2_1-.Ltmp1, $4  }
0xc3: {  	[hbm4b:s9+s2] =	stream.linear.scatter [tilespmem:s19], [sflag:$0x1], $0x80, $0x38;
	[tilespmem:$0x3100] =	vst v63  }
0xc4: {  	_ =	swait.ge [sflag:s11], $0x80  }
0xc5: {  	[sflag:s11] =	ssyncset.done $0x0  }
0xc6: {  	[sflag:s11] =	ssyncadd.s32 $0xFFFFFF80  }
0xc7: {  	_ =	sfence.sel $0x180000  }
0xc8: {  	[bflag:$0x0] =	sbarrier.arrive $0xFFFF  }
0xc9: {  	_ =	strace $0x90000047  }
0xca: {  	s0 =	stileid.u32;
	[bflag:$0x2] =	sbarrier.arrive $0xFFFF  }
0xcb: {  	p0 =	sne.s32 s0, $0x0;
	s0 =	rddreg [dreg:$0x3]  }
0xcc: {  	s0 =	sadd.s32 @!p0 $0x100000, s0  }
0xcd: {  	[sflag:s0] =	ssyncadd.tile.s32 @!p0 $0x1;
	_ =	shalt  }
.Lfunc_end2:
_tile_overlayer_lowered:
.L_overlay_start_2:
0xce: {  	(tag) =	ssettag $0x2  }
0xcf: {  	s0 =	rddreg [dreg:$0x0];
	s2 =	stileid.u32  }
0xd0: {  	s1 =	rddreg [dreg:$0x1];
	p0 =	sne.s32 s2, $0x0  }
0xd1: {  	s3 =	rddreg [dreg:$0x2];
	[bflag:$0x3] =	sbarrier.arrive $0xFFFF;
	s2 =	simm.s32 @!p0 $0x1C01  }
0xd2: {  	[timem:s3], [sflag:s2] =	dma.local @!p0 [hbm:s0], s1  }
0xd3: {  	s0 =	simm.s32 @!p0 $0x1  }
0xd4: {  	_ =	swait.ge @!p0 [sflag:s0], s1  }
0xd5: {  	s1 =	ssub.s32 @!p0 $0x0, s1;
	[sflag:s0] =	ssyncset.done @!p0 $0x0  }
0xd6: {  	[sflag:s0] =	ssyncadd.s32 @!p0 s1  }
0xd7: {  	[bflag:$0x3] =	sbarrier.arrive $0xFFFF  }
0xd8: {  	_ =	shalt  }

</sc_bundles>
